<compile_context>
chip_gen: v7x
topology: tpu7x:2x2x1
jax: 0.10.2.dev20260603
libtpu: 0.0.44.dev20260713+nightly
codegen_flags: <defaults>
</compile_context>

<pallas_src>
import jax
import jax.numpy as jnp
from jax import lax
from jax.experimental import pallas as pl
from jax.experimental.pallas import tpu as pltpu

H = 384
W = 384
C = 192
HW = H * W
HWH = HW // 2
K = 30
NEG = float("-inf")
CONV_BN = 12288


def _conv_body(w_ref, b_ref, f_ref, o_ref):
    x = jnp.dot(w_ref[...], f_ref[...], preferred_element_type=jnp.float32)
    x = x + b_ref[0, 0]
    o_ref[...] = jnp.clip(jax.nn.sigmoid(x), 0.0001, 1.0 - 0.0001)


def _conv_center(w, b, f2):
    return pl.pallas_call(
        _conv_body,
        grid=(HW // CONV_BN,),
        in_specs=[
            pl.BlockSpec((1, C), lambda i: (0, 0)),
            pl.BlockSpec(memory_space=pltpu.SMEM),
            pl.BlockSpec((C, CONV_BN), lambda i: (0, i)),
        ],
        out_specs=pl.BlockSpec((1, CONV_BN), lambda i: (0, i)),
        out_shape=jax.ShapeDtypeStruct((1, HW), jnp.float32),
    )(w, b, f2)


def _shift_rows(x, dy, fill):
    if dy == 0:
        return x
    blk = jnp.full((abs(dy), x.shape[1]), fill, x.dtype)
    if dy > 0:
        return jnp.concatenate([x[dy:, :], blk], axis=0)
    return jnp.concatenate([blk, x[:dy, :]], axis=0)


def _shift_cols(x, dx, fill):
    if dx == 0:
        return x
    blk = jnp.full((x.shape[0], abs(dx)), fill, x.dtype)
    if dx > 0:
        return jnp.concatenate([x[:, dx:], blk], axis=1)
    return jnp.concatenate([blk, x[:, :dx]], axis=1)


def _select_body(c_ref, f_ref, scores_ref, ys_ref, xs_ref, param_ref,
                 m_ref, rmax_ref, pos_ref, pgwin_ref, pg_ref, sem):
    c = c_ref[...]
    rowsum = c + _shift_cols(c, -1, 0.0) + _shift_cols(c, 1, 0.0)
    s = rowsum + _shift_rows(rowsum, -1, 0.0) + _shift_rows(rowsum, 1, 0.0)
    c2 = (c + s / 9.0) / 2.0
    rm = c2
    for dx in (-3, -2, -1, 1, 2, 3):
        rm = jnp.maximum(rm, _shift_cols(c2, dx, NEG))
    mm = rm
    for dy in (-3, -2, -1, 1, 2, 3):
        mm = jnp.maximum(mm, _shift_rows(rm, dy, NEG))
    masked = jnp.where(mm == c2, c2, 0.0)
    m_ref[...] = masked
    rmax_ref[...] = jnp.max(masked, axis=1, keepdims=True)

    lane_iota = lax.broadcasted_iota(jnp.int32, (1, W), 1)
    row_iota = lax.broadcasted_iota(jnp.int32, (H, 1), 0)

    def body(i, carry):
        rmax = rmax_ref[...]
        gmax = jnp.max(rmax)
        h = jnp.min(jnp.where(rmax == gmax, row_iota, H))
        row = m_ref[pl.ds(h, 1), :]
        wj = jnp.min(jnp.where(row == gmax, lane_iota, W))
        newrow = jnp.where(lane_iota == wj, NEG, row)
        m_ref[pl.ds(h, 1), :] = newrow
        rmax_ref[pl.ds(h, 1), :] = jnp.max(newrow, axis=1, keepdims=True)
        scores_ref[i] = gmax
        pos = h * W + wj
        pos_ref[i] = pos
        ys_ref[i] = h
        xs_ref[i] = wj
        pltpu.make_async_copy(
            f_ref.at[:, pl.ds(pl.multiple_of((pos >> 7) * 128, 128), 128)],
            pgwin_ref.at[:, pl.ds(pl.multiple_of(i * 128, 128), 128)],
            sem,
        ).start()
        return carry

    lax.fori_loop(0, K, body, 0)

    lane128 = lax.broadcasted_iota(jnp.int32, (1, 128), 1)
    for p in range(K):
        pltpu.make_async_copy(
            f_ref.at[:, pl.ds(0, 128)],
            pgwin_ref.at[:, pl.ds(p * 128, 128)],
            sem,
        ).wait()
        win = pgwin_ref[:, pl.ds(p * 128, 128)]
        onehot = lane128 == (pos_ref[p] & 127)
        pg_ref[:, pl.ds(p, 1)] = jnp.sum(
            jnp.where(onehot, win, 0.0), axis=1, keepdims=True
        )
    eye = jnp.where(
        lax.broadcasted_iota(jnp.int32, (32, 32), 0)
        == lax.broadcasted_iota(jnp.int32, (32, 32), 1),
        1.0,
        0.0,
    )
    param_ref[...] = lax.dot_general(
        eye, pg_ref[...], (((1,), (1,)), ((), ())),
        precision=lax.Precision.HIGHEST,
        preferred_element_type=jnp.float32,
    )


def _select_topk(center, f2):
    return pl.pallas_call(
        _select_body,
        in_specs=[
            pl.BlockSpec((H, W), lambda: (0, 0)),
            pl.BlockSpec(memory_space=pl.ANY),
        ],
        out_specs=[
            pl.BlockSpec(memory_space=pltpu.SMEM),
            pl.BlockSpec(memory_space=pltpu.SMEM),
            pl.BlockSpec(memory_space=pltpu.SMEM),
            pl.BlockSpec((32, C), lambda: (0, 0)),
        ],
        out_shape=[
            jax.ShapeDtypeStruct((32,), jnp.float32),
            jax.ShapeDtypeStruct((32,), jnp.int32),
            jax.ShapeDtypeStruct((32,), jnp.int32),
            jax.ShapeDtypeStruct((32, C), jnp.float32),
        ],
        scratch_shapes=[
            pltpu.VMEM((H, W), jnp.float32),
            pltpu.VMEM((H, 1), jnp.float32),
            pltpu.SMEM((32,), jnp.int32),
            pltpu.VMEM((C, K * 128), jnp.float32),
            pltpu.VMEM((C, 32), jnp.float32),
            pltpu.SemaphoreType.DMA,
        ],
    )(center, f2)


def kernel(features, conv_w, conv_b):
    f2 = features.reshape(C, HW)
    w = conv_w[-1:]
    b = conv_b[-1:].reshape(1, 1)
    center = _conv_center(w, b, f2).reshape(H, W)
    scores32, ys32, xs32, params32 = _select_topk(center, f2)
    instance_coord = jnp.stack([ys32[:K], xs32[:K]], axis=1)
    instance_imgid = jnp.zeros((K,), jnp.int32)
    instance_param = params32[:K]
    scores = scores32[:K]
    return (instance_coord, instance_imgid, instance_param, scores)

# --- scband reference (transcript-rebuilt; emitter-appended) ---
"""Pipeline reference for scband-iia-38491496907265 (READ-ONLY COPY).

The authoritative reference and input builder live on the scoring server;
editing this copy changes nothing except your own understanding.
"""

import jax, jax.numpy as jnp
import numpy as np

NUM_KP = 17
IN_CH = 192
OUT_CH = 18
H = 384
W = 384
PRIOR_PROB = 0.01
MAX_PROPOSALS = 30
KEYPOINT_THRE = 0.0005
CENTER_POOL_KERNEL = 3
POOL_THRE1 = 300
POOL_THRE2 = 200


def _sigmoid(x):
    return jnp.clip(jax.nn.sigmoid(x), 0.0001, 1.0 - 0.0001)


def _avg_pool2d(x, k, pad):
    # torch F.avg_pool2d default count_include_pad=True -> divide by k*k everywhere
    s = jax.lax.reduce_window(x, 0.0, jax.lax.add, (1, k, k), (1, 1, 1), [(0, 0), (pad, pad), (pad, pad)])
    return s / float(k * k)


def _max_pool2d(x, k, pad):
    return jax.lax.reduce_window(x, -jnp.inf, jax.lax.max, (1, k, k), (1, 1, 1), [(0, 0), (pad, pad), (pad, pad)])


def _hierarchical_pool(hm):
    map_size = (hm.shape[1] + hm.shape[2]) / 2.0
    if map_size > POOL_THRE1:
        return _max_pool2d(hm, 7, 3)
    elif map_size > POOL_THRE2:
        return _max_pool2d(hm, 5, 2)
    else:
        return _max_pool2d(hm, 3, 1)


def setup_inputs(seed: int = 0) -> dict:
    key = jax.random.key(seed)
    k1, k2 = jax.random.split(key)
    features = jax.random.normal(k1, (1, IN_CH, H, W), dtype=jnp.float32)
    # keypoint_center_conv: 1x1 conv, weight std=0.001, bias = -log((1-p)/p)
    conv_w = jax.random.normal(k2, (OUT_CH, IN_CH), dtype=jnp.float32) * 0.001
    bias_value = -float(np.log((1.0 - PRIOR_PROB) / PRIOR_PROB))
    conv_b = jnp.full((OUT_CH,), bias_value, dtype=jnp.float32)
    return {"features": features, "conv_w": conv_w, "conv_b": conv_b}


def reference(features, conv_w, conv_b):
    # eval (inference) path of IIA.forward with flip_test=False
    pred = _sigmoid(jnp.einsum('bchw,oc->bohw', features, conv_w) + conv_b[None, :, None, None])
    Wd = pred.shape[-1]
    center = pred[:, -1, :, :]
    pool = _avg_pool2d(center, CENTER_POOL_KERNEL, (CENTER_POOL_KERNEL - 1) // 2)
    center = (center + pool) / 2.0
    maxm = _hierarchical_pool(center)
    maxm = (maxm == center).astype(jnp.float32)
    center = center * maxm
    scores = center.reshape(-1)
    scores, pos_ind = jax.lax.top_k(scores, MAX_PROPOSALS)
    valid = scores > KEYPOINT_THRE
    order = jnp.argsort(jnp.logical_not(valid), stable=True)
    scores = scores[order]
    pos_ind = pos_ind[order]
    xs = pos_ind % Wd
    ys = pos_ind // Wd
    instance_coord = jnp.stack((ys, xs), axis=1)
    # _sample_feats: gather per-pixel feature vectors at proposal coords
    instance_param = features[0][:, instance_coord[:, 0], instance_coord[:, 1]].T
    instance_imgid = jnp.zeros((instance_coord.shape[0],), dtype=jnp.int32)
    return (instance_coord, instance_imgid, instance_param, scores)

if __name__ == "__main__":
    import jax
    _d = setup_inputs()
    print(jax.jit(kernel)(*tuple(_d.values())))

</pallas_src>

<mosaic_0001>
module attributes {stable_mosaic.version = 14 : i64} {
  func.func @_select_body(%arg0: memref<384x384xf32, #tpu.memory_space<vmem>>, %arg1: memref<192x147456xf32, #tpu.memory_space<any>>, %arg2: memref<32xf32, #tpu.memory_space<smem>>, %arg3: memref<32xi32, #tpu.memory_space<smem>>, %arg4: memref<32xi32, #tpu.memory_space<smem>>, %arg5: memref<32x192xf32, #tpu.memory_space<vmem>>, %arg6: memref<384x384xf32, #tpu.memory_space<vmem>>, %arg7: memref<384x1xf32, #tpu.memory_space<vmem>>, %arg8: memref<32xi32, #tpu.memory_space<smem>>, %arg9: memref<192x3840xf32, #tpu.memory_space<vmem>>, %arg10: memref<192x32xf32, #tpu.memory_space<vmem>>, %arg11: memref<!tpu.dma_semaphore, #tpu.memory_space<semaphore_mem>>) attributes {dimension_semantics = [], scalar_prefetch = 0 : i64, scratch_operands = 6 : i64, tpu.core_type = #tpu.core_type<tc>} {
    %get3A = arith.constant 0 : index
    %get3A_0 = arith.constant 0 : index
    %get3A_1 = vector.load %arg0[%get3A, %get3A_0] : memref<384x384xf32, #tpu.memory_space<vmem>>, vector<384x384xf32>
    %broadcast_in_dim3A = arith.constant 0.000000e+00 : f32
    %broadcast_in_dim3A_2 = vector.broadcast %broadcast_in_dim3A : f32 to vector<384x1xf32>
    %slice3A = vector.extract_strided_slice %get3A_1 {offsets = [0, 0], sizes = [384, 383], strides = [1, 1]} : vector<384x384xf32> to vector<384x383xf32>
    %concatenate3A = tpu.concatenate %broadcast_in_dim3A_2, %slice3A in 1 : vector<384x1xf32>, vector<384x383xf32> -> vector<384x384xf32>
    %add3A = arith.addf %get3A_1, %concatenate3A : vector<384x384xf32>
    %broadcast_in_dim3A_3 = arith.constant 0.000000e+00 : f32
    %broadcast_in_dim3A_4 = vector.broadcast %broadcast_in_dim3A_3 : f32 to vector<384x1xf32>
    %slice3A_5 = vector.extract_strided_slice %get3A_1 {offsets = [0, 1], sizes = [384, 383], strides = [1, 1]} : vector<384x384xf32> to vector<384x383xf32>
    %concatenate3A_6 = tpu.concatenate %slice3A_5, %broadcast_in_dim3A_4 in 1 : vector<384x383xf32>, vector<384x1xf32> -> vector<384x384xf32>
    %add3A_7 = arith.addf %add3A, %concatenate3A_6 : vector<384x384xf32>
    %broadcast_in_dim3A_8 = arith.constant 0.000000e+00 : f32
    %broadcast_in_dim3A_9 = vector.broadcast %broadcast_in_dim3A_8 : f32 to vector<1x384xf32>
    %slice3A_10 = vector.extract_strided_slice %add3A_7 {offsets = [0, 0], sizes = [383, 384], strides = [1, 1]} : vector<384x384xf32> to vector<383x384xf32>
    %concatenate3A_11 = tpu.concatenate %broadcast_in_dim3A_9, %slice3A_10 in 0 : vector<1x384xf32>, vector<383x384xf32> -> vector<384x384xf32>
    %add3A_12 = arith.addf %add3A_7, %concatenate3A_11 : vector<384x384xf32>
    %broadcast_in_dim3A_13 = arith.constant 0.000000e+00 : f32
    %broadcast_in_dim3A_14 = vector.broadcast %broadcast_in_dim3A_13 : f32 to vector<1x384xf32>
    %slice3A_15 = vector.extract_strided_slice %add3A_7 {offsets = [1, 0], sizes = [383, 384], strides = [1, 1]} : vector<384x384xf32> to vector<383x384xf32>
    %concatenate3A_16 = tpu.concatenate %slice3A_15, %broadcast_in_dim3A_14 in 0 : vector<383x384xf32>, vector<1x384xf32> -> vector<384x384xf32>
    %add3A_17 = arith.addf %add3A_12, %concatenate3A_16 : vector<384x384xf32>
    %div3A = arith.constant 9.000000e+00 : f32
    %div3A_18 = vector.broadcast %div3A : f32 to vector<384x384xf32>
    %div3A_19 = arith.divf %add3A_17, %div3A_18 : vector<384x384xf32>
    %add3A_20 = arith.addf %get3A_1, %div3A_19 : vector<384x384xf32>
    %div3A_21 = arith.constant 2.000000e+00 : f32
    %div3A_22 = vector.broadcast %div3A_21 : f32 to vector<384x384xf32>
    %div3A_23 = arith.divf %add3A_20, %div3A_22 : vector<384x384xf32>
    %broadcast_in_dim3A_24 = arith.constant 0xFF800000 : f32
    %broadcast_in_dim3A_25 = vector.broadcast %broadcast_in_dim3A_24 : f32 to vector<384x3xf32>
    %slice3A_26 = vector.extract_strided_slice %div3A_23 {offsets = [0, 0], sizes = [384, 381], strides = [1, 1]} : vector<384x384xf32> to vector<384x381xf32>
    %concatenate3A_27 = tpu.concatenate %broadcast_in_dim3A_25, %slice3A_26 in 1 : vector<384x3xf32>, vector<384x381xf32> -> vector<384x384xf32>
    %max3A = arith.maximumf %div3A_23, %concatenate3A_27 : vector<384x384xf32>
    %broadcast_in_dim3A_28 = arith.constant 0xFF800000 : f32
    %broadcast_in_dim3A_29 = vector.broadcast %broadcast_in_dim3A_28 : f32 to vector<384x2xf32>
    %slice3A_30 = vector.extract_strided_slice %div3A_23 {offsets = [0, 0], sizes = [384, 382], strides = [1, 1]} : vector<384x384xf32> to vector<384x382xf32>
    %concatenate3A_31 = tpu.concatenate %broadcast_in_dim3A_29, %slice3A_30 in 1 : vector<384x2xf32>, vector<384x382xf32> -> vector<384x384xf32>
    %max3A_32 = arith.maximumf %max3A, %concatenate3A_31 : vector<384x384xf32>
    %broadcast_in_dim3A_33 = arith.constant 0xFF800000 : f32
    %broadcast_in_dim3A_34 = vector.broadcast %broadcast_in_dim3A_33 : f32 to vector<384x1xf32>
    %slice3A_35 = vector.extract_strided_slice %div3A_23 {offsets = [0, 0], sizes = [384, 383], strides = [1, 1]} : vector<384x384xf32> to vector<384x383xf32>
    %concatenate3A_36 = tpu.concatenate %broadcast_in_dim3A_34, %slice3A_35 in 1 : vector<384x1xf32>, vector<384x383xf32> -> vector<384x384xf32>
    %max3A_37 = arith.maximumf %max3A_32, %concatenate3A_36 : vector<384x384xf32>
    %broadcast_in_dim3A_38 = arith.constant 0xFF800000 : f32
    %broadcast_in_dim3A_39 = vector.broadcast %broadcast_in_dim3A_38 : f32 to vector<384x1xf32>
    %slice3A_40 = vector.extract_strided_slice %div3A_23 {offsets = [0, 1], sizes = [384, 383], strides = [1, 1]} : vector<384x384xf32> to vector<384x383xf32>
    %concatenate3A_41 = tpu.concatenate %slice3A_40, %broadcast_in_dim3A_39 in 1 : vector<384x383xf32>, vector<384x1xf32> -> vector<384x384xf32>
    %max3A_42 = arith.maximumf %max3A_37, %concatenate3A_41 : vector<384x384xf32>
    %broadcast_in_dim3A_43 = arith.constant 0xFF800000 : f32
    %broadcast_in_dim3A_44 = vector.broadcast %broadcast_in_dim3A_43 : f32 to vector<384x2xf32>
    %slice3A_45 = vector.extract_strided_slice %div3A_23 {offsets = [0, 2], sizes = [384, 382], strides = [1, 1]} : vector<384x384xf32> to vector<384x382xf32>
    %concatenate3A_46 = tpu.concatenate %slice3A_45, %broadcast_in_dim3A_44 in 1 : vector<384x382xf32>, vector<384x2xf32> -> vector<384x384xf32>
    %max3A_47 = arith.maximumf %max3A_42, %concatenate3A_46 : vector<384x384xf32>
    %broadcast_in_dim3A_48 = arith.constant 0xFF800000 : f32
    %broadcast_in_dim3A_49 = vector.broadcast %broadcast_in_dim3A_48 : f32 to vector<384x3xf32>
    %slice3A_50 = vector.extract_strided_slice %div3A_23 {offsets = [0, 3], sizes = [384, 381], strides = [1, 1]} : vector<384x384xf32> to vector<384x381xf32>
    %concatenate3A_51 = tpu.concatenate %slice3A_50, %broadcast_in_dim3A_49 in 1 : vector<384x381xf32>, vector<384x3xf32> -> vector<384x384xf32>
    %max3A_52 = arith.maximumf %max3A_47, %concatenate3A_51 : vector<384x384xf32>
    %broadcast_in_dim3A_53 = arith.constant 0xFF800000 : f32
    %broadcast_in_dim3A_54 = vector.broadcast %broadcast_in_dim3A_53 : f32 to vector<3x384xf32>
    %slice3A_55 = vector.extract_strided_slice %max3A_52 {offsets = [0, 0], sizes = [381, 384], strides = [1, 1]} : vector<384x384xf32> to vector<381x384xf32>
    %concatenate3A_56 = tpu.concatenate %broadcast_in_dim3A_54, %slice3A_55 in 0 : vector<3x384xf32>, vector<381x384xf32> -> vector<384x384xf32>
    %max3A_57 = arith.maximumf %max3A_52, %concatenate3A_56 : vector<384x384xf32>
    %broadcast_in_dim3A_58 = arith.constant 0xFF800000 : f32
    %broadcast_in_dim3A_59 = vector.broadcast %broadcast_in_dim3A_58 : f32 to vector<2x384xf32>
    %slice3A_60 = vector.extract_strided_slice %max3A_52 {offsets = [0, 0], sizes = [382, 384], strides = [1, 1]} : vector<384x384xf32> to vector<382x384xf32>
    %concatenate3A_61 = tpu.concatenate %broadcast_in_dim3A_59, %slice3A_60 in 0 : vector<2x384xf32>, vector<382x384xf32> -> vector<384x384xf32>
    %max3A_62 = arith.maximumf %max3A_57, %concatenate3A_61 : vector<384x384xf32>
    %broadcast_in_dim3A_63 = arith.constant 0xFF800000 : f32
    %broadcast_in_dim3A_64 = vector.broadcast %broadcast_in_dim3A_63 : f32 to vector<1x384xf32>
    %slice3A_65 = vector.extract_strided_slice %max3A_52 {offsets = [0, 0], sizes = [383, 384], strides = [1, 1]} : vector<384x384xf32> to vector<383x384xf32>
    %concatenate3A_66 = tpu.concatenate %broadcast_in_dim3A_64, %slice3A_65 in 0 : vector<1x384xf32>, vector<383x384xf32> -> vector<384x384xf32>
    %max3A_67 = arith.maximumf %max3A_62, %concatenate3A_66 : vector<384x384xf32>
    %broadcast_in_dim3A_68 = arith.constant 0xFF800000 : f32
    %broadcast_in_dim3A_69 = vector.broadcast %broadcast_in_dim3A_68 : f32 to vector<1x384xf32>
    %slice3A_70 = vector.extract_strided_slice %max3A_52 {offsets = [1, 0], sizes = [383, 384], strides = [1, 1]} : vector<384x384xf32> to vector<383x384xf32>
    %concatenate3A_71 = tpu.concatenate %slice3A_70, %broadcast_in_dim3A_69 in 0 : vector<383x384xf32>, vector<1x384xf32> -> vector<384x384xf32>
    %max3A_72 = arith.maximumf %max3A_67, %concatenate3A_71 : vector<384x384xf32>
    %broadcast_in_dim3A_73 = arith.constant 0xFF800000 : f32
    %broadcast_in_dim3A_74 = vector.broadcast %broadcast_in_dim3A_73 : f32 to vector<2x384xf32>
    %slice3A_75 = vector.extract_strided_slice %max3A_52 {offsets = [2, 0], sizes = [382, 384], strides = [1, 1]} : vector<384x384xf32> to vector<382x384xf32>
    %concatenate3A_76 = tpu.concatenate %slice3A_75, %broadcast_in_dim3A_74 in 0 : vector<382x384xf32>, vector<2x384xf32> -> vector<384x384xf32>
    %max3A_77 = arith.maximumf %max3A_72, %concatenate3A_76 : vector<384x384xf32>
    %broadcast_in_dim3A_78 = arith.constant 0xFF800000 : f32
    %broadcast_in_dim3A_79 = vector.broadcast %broadcast_in_dim3A_78 : f32 to vector<3x384xf32>
    %slice3A_80 = vector.extract_strided_slice %max3A_52 {offsets = [3, 0], sizes = [381, 384], strides = [1, 1]} : vector<384x384xf32> to vector<381x384xf32>
    %concatenate3A_81 = tpu.concatenate %slice3A_80, %broadcast_in_dim3A_79 in 0 : vector<381x384xf32>, vector<3x384xf32> -> vector<384x384xf32>
    %max3A_82 = arith.maximumf %max3A_77, %concatenate3A_81 : vector<384x384xf32>
    %eq3A = arith.cmpf oeq, %max3A_82, %div3A_23 : vector<384x384xf32>
    %jit3A = arith.constant 0.000000e+00 : f32
    %broadcast_in_dim3A_83 = vector.broadcast %jit3A : f32 to vector<384x384xf32>
    %select_n3A = arith.select %eq3A, %div3A_23, %broadcast_in_dim3A_83 : vector<384x384xi1>, vector<384x384xf32>
    %swap3A = arith.constant 0 : index
    %swap3A_84 = arith.constant 0 : index
    %swap3A_85 = vector.load %arg6[%swap3A, %swap3A_84] : memref<384x384xf32, #tpu.memory_space<vmem>>, vector<384x384xf32>
    tpu.vector_store %arg6[%swap3A, %swap3A_84], %select_n3A {strides = array<i32>} : memref<384x384xf32, #tpu.memory_space<vmem>>, vector<384x384xf32>,
    %reduce_max3A = arith.constant dense<0xFF800000> : vector<384xf32>
    %reduce_max3A_86 = vector.multi_reduction <maximumf>, %select_n3A, %reduce_max3A [1] : vector<384x384xf32> to vector<384xf32>
    %broadcast_in_dim3A_87 = vector.shape_cast %reduce_max3A_86 : vector<384xf32> to vector<384x1xf32>
    %swap3A_88 = arith.constant 0 : index
    %swap3A_89 = arith.constant 0 : index
    %swap3A_90 = vector.load %arg7[%swap3A_88, %swap3A_89] : memref<384x1xf32, #tpu.memory_space<vmem>>, vector<384x1xf32>
    tpu.vector_store %arg7[%swap3A_88, %swap3A_89], %broadcast_in_dim3A_87 {strides = array<i32>} : memref<384x1xf32, #tpu.memory_space<vmem>>, vector<384x1xf32>,
    %iota3A = tpu.iota {dimensions = array<i32: 1>} : vector<1x384xi32>
    %iota3A_91 = tpu.iota {dimensions = array<i32: 0>} : vector<384x1xi32>
    %scan3A = arith.constant 0 : i32
    %scan3A_92 = arith.constant 30 : i32
    %scan3A_93 = arith.addi %scan3A, %scan3A_92 : i32
    %scan3A_94 = arith.constant 1 : i32
    scf.for %scan3A_889 = %scan3A to %scan3A_93 step %scan3A_94  : i32 {
      %get3A_890 = arith.constant 0 : index
      %get3A_891 = arith.constant 0 : index
      %get3A_892 = vector.load %arg7[%get3A_890, %get3A_891] : memref<384x1xf32, #tpu.memory_space<vmem>>, vector<384x1xf32>
      %reduce_max3A_893 = vector.shape_cast %get3A_892 : vector<384x1xf32> to vector<1x384x1xf32>
      %reduce_max3A_894 = arith.constant dense<0xFF800000> : vector<1xf32>
      %reduce_max3A_895 = vector.multi_reduction <maximumf>, %reduce_max3A_893, %reduce_max3A_894 [1, 2] : vector<1x384x1xf32> to vector<1xf32>
      %reduce_max3A_896 = vector.shape_cast %reduce_max3A_895 : vector<1xf32> to vector<1x1x1xf32>
      %reduce_max3A_897 = vector.extract %reduce_max3A_896[0, 0, 0] : f32 from vector<1x1x1xf32>
      %eq3A_898 = vector.broadcast %reduce_max3A_897 : f32 to vector<384x1xf32>
      %eq3A_899 = arith.cmpf oeq, %get3A_892, %eq3A_898 : vector<384x1xf32>
      %jit3A_900 = arith.constant 384 : i32
      %broadcast_in_dim3A_901 = vector.broadcast %jit3A_900 : i32 to vector<384x1xi32>
      %select_n3A_902 = arith.select %eq3A_899, %iota3A_91, %broadcast_in_dim3A_901 : vector<384x1xi1>, vector<384x1xi32>
      %reduce_min3A = vector.shape_cast %select_n3A_902 : vector<384x1xi32> to vector<1x384x1xi32>
      %reduce_min3A_903 = arith.constant dense<2147483647> : vector<1xi32>
      %reduce_min3A_904 = vector.multi_reduction <minsi>, %reduce_min3A, %reduce_min3A_903 [1, 2] : vector<1x384x1xi32> to vector<1xi32>
      %reduce_min3A_905 = vector.shape_cast %reduce_min3A_904 : vector<1xi32> to vector<1x1x1xi32>
      %reduce_min3A_906 = vector.extract %reduce_min3A_905[0, 0, 0] : i32 from vector<1x1x1xi32>
      %get3A_907 = arith.index_cast %reduce_min3A_906 : i32 to index
      %get3A_908 = arith.constant 0 : index
      %get3A_909 = vector.load %arg6[%get3A_907, %get3A_908] : memref<384x384xf32, #tpu.memory_space<vmem>>, vector<1x384xf32>
      %eq3A_910 = vector.broadcast %reduce_max3A_897 : f32 to vector<1x384xf32>
      %eq3A_911 = arith.cmpf oeq, %get3A_909, %eq3A_910 : vector<1x384xf32>
      %jit3A_912 = arith.constant 384 : i32
      %broadcast_in_dim3A_913 = vector.broadcast %jit3A_912 : i32 to vector<1x384xi32>
      %select_n3A_914 = arith.select %eq3A_911, %iota3A, %broadcast_in_dim3A_913 : vector<1x384xi1>, vector<1x384xi32>
      %reduce_min3A_915 = vector.shape_cast %select_n3A_914 : vector<1x384xi32> to vector<1x1x384xi32>
      %reduce_min3A_916 = arith.constant dense<2147483647> : vector<1xi32>
      %reduce_min3A_917 = vector.multi_reduction <minsi>, %reduce_min3A_915, %reduce_min3A_916 [1, 2] : vector<1x1x384xi32> to vector<1xi32>
      %reduce_min3A_918 = vector.shape_cast %reduce_min3A_917 : vector<1xi32> to vector<1x1x1xi32>
      %reduce_min3A_919 = vector.extract %reduce_min3A_918[0, 0, 0] : i32 from vector<1x1x1xi32>
      %eq3A_920 = vector.broadcast %reduce_min3A_919 : i32 to vector<1x384xi32>
      %eq3A_921 = arith.cmpi eq, %iota3A, %eq3A_920 : vector<1x384xi32>
      %jit3A_922 = arith.constant 0xFF800000 : f32
      %broadcast_in_dim3A_923 = vector.broadcast %jit3A_922 : f32 to vector<1x384xf32>
      %select_n3A_924 = arith.select %eq3A_921, %broadcast_in_dim3A_923, %get3A_909 : vector<1x384xi1>, vector<1x384xf32>
      %swap3A_925 = arith.index_cast %reduce_min3A_906 : i32 to index
      %swap3A_926 = arith.constant 0 : index
      %swap3A_927 = vector.load %arg6[%swap3A_925, %swap3A_926] : memref<384x384xf32, #tpu.memory_space<vmem>>, vector<1x384xf32>
      tpu.vector_store %arg6[%swap3A_925, %swap3A_926], %select_n3A_924 {strides = array<i32>} : memref<384x384xf32, #tpu.memory_space<vmem>>, vector<1x384xf32>,
      %reduce_max3A_928 = arith.constant dense<0xFF800000> : vector<1xf32>
      %reduce_max3A_929 = vector.multi_reduction <maximumf>, %select_n3A_924, %reduce_max3A_928 [1] : vector<1x384xf32> to vector<1xf32>
      %broadcast_in_dim3A_930 = vector.shape_cast %reduce_max3A_929 : vector<1xf32> to vector<1x1xf32>
      %swap3A_931 = arith.index_cast %reduce_min3A_906 : i32 to index
      %swap3A_932 = arith.constant 0 : index
      %swap3A_933 = vector.load %arg7[%swap3A_931, %swap3A_932] : memref<384x1xf32, #tpu.memory_space<vmem>>, vector<1x1xf32>
      tpu.vector_store %arg7[%swap3A_931, %swap3A_932], %broadcast_in_dim3A_930 {strides = array<i32>} : memref<384x1xf32, #tpu.memory_space<vmem>>, vector<1x1xf32>,
      %swap3A_934 = arith.index_cast %scan3A_889 : i32 to index
      %swap3A_935 = memref.load %arg2[%swap3A_934] : memref<32xf32, #tpu.memory_space<smem>>
      memref.store %reduce_max3A_897, %arg2[%swap3A_934] : memref<32xf32, #tpu.memory_space<smem>>
      %mul3A = arith.constant 384 : i32
      %mul3A_936 = arith.muli %reduce_min3A_906, %mul3A : i32
      %add3A_937 = arith.addi %mul3A_936, %reduce_min3A_919 : i32
      %swap3A_938 = arith.index_cast %scan3A_889 : i32 to index
      %swap3A_939 = memref.load %arg8[%swap3A_938] : memref<32xi32, #tpu.memory_space<smem>>
      memref.store %add3A_937, %arg8[%swap3A_938] : memref<32xi32, #tpu.memory_space<smem>>
      %swap3A_940 = arith.index_cast %scan3A_889 : i32 to index
      %swap3A_941 = memref.load %arg3[%swap3A_940] : memref<32xi32, #tpu.memory_space<smem>>
      memref.store %reduce_min3A_906, %arg3[%swap3A_940] : memref<32xi32, #tpu.memory_space<smem>>
      %swap3A_942 = arith.index_cast %scan3A_889 : i32 to index
      %swap3A_943 = memref.load %arg4[%swap3A_942] : memref<32xi32, #tpu.memory_space<smem>>
      memref.store %reduce_min3A_919, %arg4[%swap3A_942] : memref<32xi32, #tpu.memory_space<smem>>
      %shift_right_arithmetic3A = arith.constant 7 : i32
      %shift_right_arithmetic3A_944 = arith.shrsi %add3A_937, %shift_right_arithmetic3A : i32
      %mul3A_945 = arith.constant 128 : i32
      %mul3A_946 = arith.muli %shift_right_arithmetic3A_944, %mul3A_945 : i32
      %multiple_of3A = tpu.assume_multiple %mul3A_946, 128 : i32
      %mul3A_947 = arith.constant 128 : i32
      %mul3A_948 = arith.muli %scan3A_889, %mul3A_947 : i32
      %multiple_of3A_949 = tpu.assume_multiple %mul3A_948, 128 : i32
      %dma_start3A = arith.constant 0 : i32
      %dma_start3A_950 = tpu.memref_slice %arg9[%dma_start3A, %multiple_of3A_949] : memref<192x3840xf32, #tpu.memory_space<vmem>> -> memref<192x128xf32, #tpu.memory_space<vmem>>
      %dma_start3A_951 = arith.constant 0 : i32
      %dma_start3A_952 = tpu.memref_slice %arg1[%dma_start3A_951, %multiple_of3A] : memref<192x147456xf32, #tpu.memory_space<any>> -> memref<192x128xf32, #tpu.memory_space<any>>
      tpu.enqueue_dma source(%dma_start3A_952 : memref<192x128xf32, #tpu.memory_space<any>>) target(%dma_start3A_950 : memref<192x128xf32, #tpu.memory_space<vmem>>) target_semaphore(%arg11 : memref<!tpu.dma_semaphore, #tpu.memory_space<semaphore_mem>>)
    }
    %scan3A_95 = arith.constant 30 : i32
    %iota3A_96 = tpu.iota {dimensions = array<i32: 1>} : vector<1x128xi32>
    %dma_wait3A = arith.constant 0 : i32
    %dma_wait3A_97 = arith.constant 0 : i32
    %dma_wait3A_98 = tpu.memref_slice %arg9[%dma_wait3A, %dma_wait3A_97] : memref<192x3840xf32, #tpu.memory_space<vmem>> -> memref<192x128xf32, #tpu.memory_space<vmem>>
    %dma_wait3A_99 = arith.constant 0 : i32
    %dma_wait3A_100 = arith.constant 0 : i32
    %dma_wait3A_101 = tpu.memref_slice %arg1[%dma_wait3A_99, %dma_wait3A_100] : memref<192x147456xf32, #tpu.memory_space<any>> -> memref<192x128xf32, #tpu.memory_space<any>>
    tpu.wait_dma2 semaphore(%arg11 : memref<!tpu.dma_semaphore, #tpu.memory_space<semaphore_mem>>) src(%dma_wait3A_101 : memref<192x128xf32, #tpu.memory_space<any>>) dst(%dma_wait3A_98 : memref<192x128xf32, #tpu.memory_space<vmem>>)
    %get3A_102 = arith.constant 0 : index
    %get3A_103 = arith.constant 0 : index
    %get3A_104 = vector.load %arg9[%get3A_102, %get3A_103] : memref<192x3840xf32, #tpu.memory_space<vmem>>, vector<192x128xf32>
    %get3A_105 = arith.constant 0 : index
    %get3A_106 = memref.load %arg8[%get3A_105] : memref<32xi32, #tpu.memory_space<smem>>
    %and3A = arith.constant 127 : i32
    %and3A_107 = arith.andi %get3A_106, %and3A : i32
    %eq3A_108 = vector.broadcast %and3A_107 : i32 to vector<1x128xi32>
    %eq3A_109 = arith.cmpi eq, %iota3A_96, %eq3A_108 : vector<1x128xi32>
    %jit3A_110 = arith.constant 0.000000e+00 : f32
    %broadcast_in_dim3A_111 = vector.shape_cast %eq3A_109 : vector<1x128xi1> to vector<1x128xi1>
    %broadcast_in_dim3A_112 = vector.broadcast %broadcast_in_dim3A_111 : vector<1x128xi1> to vector<192x128xi1>
    %broadcast_in_dim3A_113 = vector.broadcast %jit3A_110 : f32 to vector<192x128xf32>
    %select_n3A_114 = arith.select %broadcast_in_dim3A_112, %get3A_104, %broadcast_in_dim3A_113 : vector<192x128xi1>, vector<192x128xf32>
    %reduce_sum3A = arith.constant dense<0.000000e+00> : vector<192xf32>
    %reduce_sum3A_115 = vector.multi_reduction <add>, %select_n3A_114, %reduce_sum3A [1] : vector<192x128xf32> to vector<192xf32>
    %broadcast_in_dim3A_116 = vector.shape_cast %reduce_sum3A_115 : vector<192xf32> to vector<192x1xf32>
    %swap3A_117 = arith.constant 0 : index
    %swap3A_118 = arith.constant 0 : index
    %swap3A_119 = vector.load %arg10[%swap3A_117, %swap3A_118] : memref<192x32xf32, #tpu.memory_space<vmem>>, vector<192x1xf32>
    tpu.vector_store %arg10[%swap3A_117, %swap3A_118], %broadcast_in_dim3A_116 {strides = array<i32>} : memref<192x32xf32, #tpu.memory_space<vmem>>, vector<192x1xf32>,
    %dma_wait3A_120 = arith.constant 0 : i32
    %dma_wait3A_121 = arith.constant 128 : i32
    %dma_wait3A_122 = tpu.memref_slice %arg9[%dma_wait3A_120, %dma_wait3A_121] : memref<192x3840xf32, #tpu.memory_space<vmem>> -> memref<192x128xf32, #tpu.memory_space<vmem>>
    %dma_wait3A_123 = arith.constant 0 : i32
    %dma_wait3A_124 = arith.constant 0 : i32
    %dma_wait3A_125 = tpu.memref_slice %arg1[%dma_wait3A_123, %dma_wait3A_124] : memref<192x147456xf32, #tpu.memory_space<any>> -> memref<192x128xf32, #tpu.memory_space<any>>
    tpu.wait_dma2 semaphore(%arg11 : memref<!tpu.dma_semaphore, #tpu.memory_space<semaphore_mem>>) src(%dma_wait3A_125 : memref<192x128xf32, #tpu.memory_space<any>>) dst(%dma_wait3A_122 : memref<192x128xf32, #tpu.memory_space<vmem>>)
    %get3A_126 = arith.constant 0 : index
    %get3A_127 = arith.constant 128 : index
    %get3A_128 = vector.load %arg9[%get3A_126, %get3A_127] : memref<192x3840xf32, #tpu.memory_space<vmem>>, vector<192x128xf32>
    %get3A_129 = arith.constant 1 : index
    %get3A_130 = memref.load %arg8[%get3A_129] : memref<32xi32, #tpu.memory_space<smem>>
    %and3A_131 = arith.constant 127 : i32
    %and3A_132 = arith.andi %get3A_130, %and3A_131 : i32
    %eq3A_133 = vector.broadcast %and3A_132 : i32 to vector<1x128xi32>
    %eq3A_134 = arith.cmpi eq, %iota3A_96, %eq3A_133 : vector<1x128xi32>
    %jit3A_135 = arith.constant 0.000000e+00 : f32
    %broadcast_in_dim3A_136 = vector.shape_cast %eq3A_134 : vector<1x128xi1> to vector<1x128xi1>
    %broadcast_in_dim3A_137 = vector.broadcast %broadcast_in_dim3A_136 : vector<1x128xi1> to vector<192x128xi1>
    %broadcast_in_dim3A_138 = vector.broadcast %jit3A_135 : f32 to vector<192x128xf32>
    %select_n3A_139 = arith.select %broadcast_in_dim3A_137, %get3A_128, %broadcast_in_dim3A_138 : vector<192x128xi1>, vector<192x128xf32>
    %reduce_sum3A_140 = arith.constant dense<0.000000e+00> : vector<192xf32>
    %reduce_sum3A_141 = vector.multi_reduction <add>, %select_n3A_139, %reduce_sum3A_140 [1] : vector<192x128xf32> to vector<192xf32>
    %broadcast_in_dim3A_142 = vector.shape_cast %reduce_sum3A_141 : vector<192xf32> to vector<192x1xf32>
    %swap3A_143 = arith.constant 0 : index
    %swap3A_144 = arith.constant 1 : index
    %swap3A_145 = vector.load %arg10[%swap3A_143, %swap3A_144] : memref<192x32xf32, #tpu.memory_space<vmem>>, vector<192x1xf32>
    tpu.vector_store %arg10[%swap3A_143, %swap3A_144], %broadcast_in_dim3A_142 {strides = array<i32>} : memref<192x32xf32, #tpu.memory_space<vmem>>, vector<192x1xf32>,
    %dma_wait3A_146 = arith.constant 0 : i32
    %dma_wait3A_147 = arith.constant 256 : i32
    %dma_wait3A_148 = tpu.memref_slice %arg9[%dma_wait3A_146, %dma_wait3A_147] : memref<192x3840xf32, #tpu.memory_space<vmem>> -> memref<192x128xf32, #tpu.memory_space<vmem>>
    %dma_wait3A_149 = arith.constant 0 : i32
    %dma_wait3A_150 = arith.constant 0 : i32
    %dma_wait3A_151 = tpu.memref_slice %arg1[%dma_wait3A_149, %dma_wait3A_150] : memref<192x147456xf32, #tpu.memory_space<any>> -> memref<192x128xf32, #tpu.memory_space<any>>
    tpu.wait_dma2 semaphore(%arg11 : memref<!tpu.dma_semaphore, #tpu.memory_space<semaphore_mem>>) src(%dma_wait3A_151 : memref<192x128xf32, #tpu.memory_space<any>>) dst(%dma_wait3A_148 : memref<192x128xf32, #tpu.memory_space<vmem>>)
    %get3A_152 = arith.constant 0 : index
    %get3A_153 = arith.constant 256 : index
    %get3A_154 = vector.load %arg9[%get3A_152, %get3A_153] : memref<192x3840xf32, #tpu.memory_space<vmem>>, vector<192x128xf32>
    %get3A_155 = arith.constant 2 : index
    %get3A_156 = memref.load %arg8[%get3A_155] : memref<32xi32, #tpu.memory_space<smem>>
    %and3A_157 = arith.constant 127 : i32
    %and3A_158 = arith.andi %get3A_156, %and3A_157 : i32
    %eq3A_159 = vector.broadcast %and3A_158 : i32 to vector<1x128xi32>
    %eq3A_160 = arith.cmpi eq, %iota3A_96, %eq3A_159 : vector<1x128xi32>
    %jit3A_161 = arith.constant 0.000000e+00 : f32
    %broadcast_in_dim3A_162 = vector.shape_cast %eq3A_160 : vector<1x128xi1> to vector<1x128xi1>
    %broadcast_in_dim3A_163 = vector.broadcast %broadcast_in_dim3A_162 : vector<1x128xi1> to vector<192x128xi1>
    %broadcast_in_dim3A_164 = vector.broadcast %jit3A_161 : f32 to vector<192x128xf32>
    %select_n3A_165 = arith.select %broadcast_in_dim3A_163, %get3A_154, %broadcast_in_dim3A_164 : vector<192x128xi1>, vector<192x128xf32>
    %reduce_sum3A_166 = arith.constant dense<0.000000e+00> : vector<192xf32>
    %reduce_sum3A_167 = vector.multi_reduction <add>, %select_n3A_165, %reduce_sum3A_166 [1] : vector<192x128xf32> to vector<192xf32>
    %broadcast_in_dim3A_168 = vector.shape_cast %reduce_sum3A_167 : vector<192xf32> to vector<192x1xf32>
    %swap3A_169 = arith.constant 0 : index
    %swap3A_170 = arith.constant 2 : index
    %swap3A_171 = vector.load %arg10[%swap3A_169, %swap3A_170] : memref<192x32xf32, #tpu.memory_space<vmem>>, vector<192x1xf32>
    tpu.vector_store %arg10[%swap3A_169, %swap3A_170], %broadcast_in_dim3A_168 {strides = array<i32>} : memref<192x32xf32, #tpu.memory_space<vmem>>, vector<192x1xf32>,
    %dma_wait3A_172 = arith.constant 0 : i32
    %dma_wait3A_173 = arith.constant 384 : i32
    %dma_wait3A_174 = tpu.memref_slice %arg9[%dma_wait3A_172, %dma_wait3A_173] : memref<192x3840xf32, #tpu.memory_space<vmem>> -> memref<192x128xf32, #tpu.memory_space<vmem>>
    %dma_wait3A_175 = arith.constant 0 : i32
    %dma_wait3A_176 = arith.constant 0 : i32
    %dma_wait3A_177 = tpu.memref_slice %arg1[%dma_wait3A_175, %dma_wait3A_176] : memref<192x147456xf32, #tpu.memory_space<any>> -> memref<192x128xf32, #tpu.memory_space<any>>
    tpu.wait_dma2 semaphore(%arg11 : memref<!tpu.dma_semaphore, #tpu.memory_space<semaphore_mem>>) src(%dma_wait3A_177 : memref<192x128xf32, #tpu.memory_space<any>>) dst(%dma_wait3A_174 : memref<192x128xf32, #tpu.memory_space<vmem>>)
    %get3A_178 = arith.constant 0 : index
    %get3A_179 = arith.constant 384 : index
    %get3A_180 = vector.load %arg9[%get3A_178, %get3A_179] : memref<192x3840xf32, #tpu.memory_space<vmem>>, vector<192x128xf32>
    %get3A_181 = arith.constant 3 : index
    %get3A_182 = memref.load %arg8[%get3A_181] : memref<32xi32, #tpu.memory_space<smem>>
    %and3A_183 = arith.constant 127 : i32
    %and3A_184 = arith.andi %get3A_182, %and3A_183 : i32
    %eq3A_185 = vector.broadcast %and3A_184 : i32 to vector<1x128xi32>
    %eq3A_186 = arith.cmpi eq, %iota3A_96, %eq3A_185 : vector<1x128xi32>
    %jit3A_187 = arith.constant 0.000000e+00 : f32
    %broadcast_in_dim3A_188 = vector.shape_cast %eq3A_186 : vector<1x128xi1> to vector<1x128xi1>
    %broadcast_in_dim3A_189 = vector.broadcast %broadcast_in_dim3A_188 : vector<1x128xi1> to vector<192x128xi1>
    %broadcast_in_dim3A_190 = vector.broadcast %jit3A_187 : f32 to vector<192x128xf32>
    %select_n3A_191 = arith.select %broadcast_in_dim3A_189, %get3A_180, %broadcast_in_dim3A_190 : vector<192x128xi1>, vector<192x128xf32>
    %reduce_sum3A_192 = arith.constant dense<0.000000e+00> : vector<192xf32>
    %reduce_sum3A_193 = vector.multi_reduction <add>, %select_n3A_191, %reduce_sum3A_192 [1] : vector<192x128xf32> to vector<192xf32>
    %broadcast_in_dim3A_194 = vector.shape_cast %reduce_sum3A_193 : vector<192xf32> to vector<192x1xf32>
    %swap3A_195 = arith.constant 0 : index
    %swap3A_196 = arith.constant 3 : index
    %swap3A_197 = vector.load %arg10[%swap3A_195, %swap3A_196] : memref<192x32xf32, #tpu.memory_space<vmem>>, vector<192x1xf32>
    tpu.vector_store %arg10[%swap3A_195, %swap3A_196], %broadcast_in_dim3A_194 {strides = array<i32>} : memref<192x32xf32, #tpu.memory_space<vmem>>, vector<192x1xf32>,
    %dma_wait3A_198 = arith.constant 0 : i32
    %dma_wait3A_199 = arith.constant 512 : i32
    %dma_wait3A_200 = tpu.memref_slice %arg9[%dma_wait3A_198, %dma_wait3A_199] : memref<192x3840xf32, #tpu.memory_space<vmem>> -> memref<192x128xf32, #tpu.memory_space<vmem>>
    %dma_wait3A_201 = arith.constant 0 : i32
    %dma_wait3A_202 = arith.constant 0 : i32
    %dma_wait3A_203 = tpu.memref_slice %arg1[%dma_wait3A_201, %dma_wait3A_202] : memref<192x147456xf32, #tpu.memory_space<any>> -> memref<192x128xf32, #tpu.memory_space<any>>
    tpu.wait_dma2 semaphore(%arg11 : memref<!tpu.dma_semaphore, #tpu.memory_space<semaphore_mem>>) src(%dma_wait3A_203 : memref<192x128xf32, #tpu.memory_space<any>>) dst(%dma_wait3A_200 : memref<192x128xf32, #tpu.memory_space<vmem>>)
    %get3A_204 = arith.constant 0 : index
    %get3A_205 = arith.constant 512 : index
    %get3A_206 = vector.load %arg9[%get3A_204, %get3A_205] : memref<192x3840xf32, #tpu.memory_space<vmem>>, vector<192x128xf32>
    %get3A_207 = arith.constant 4 : index
    %get3A_208 = memref.load %arg8[%get3A_207] : memref<32xi32, #tpu.memory_space<smem>>
    %and3A_209 = arith.constant 127 : i32
    %and3A_210 = arith.andi %get3A_208, %and3A_209 : i32
    %eq3A_211 = vector.broadcast %and3A_210 : i32 to vector<1x128xi32>
    %eq3A_212 = arith.cmpi eq, %iota3A_96, %eq3A_211 : vector<1x128xi32>
    %jit3A_213 = arith.constant 0.000000e+00 : f32
    %broadcast_in_dim3A_214 = vector.shape_cast %eq3A_212 : vector<1x128xi1> to vector<1x128xi1>
    %broadcast_in_dim3A_215 = vector.broadcast %broadcast_in_dim3A_214 : vector<1x128xi1> to vector<192x128xi1>
    %broadcast_in_dim3A_216 = vector.broadcast %jit3A_213 : f32 to vector<192x128xf32>
    %select_n3A_217 = arith.select %broadcast_in_dim3A_215, %get3A_206, %broadcast_in_dim3A_216 : vector<192x128xi1>, vector<192x128xf32>
    %reduce_sum3A_218 = arith.constant dense<0.000000e+00> : vector<192xf32>
    %reduce_sum3A_219 = vector.multi_reduction <add>, %select_n3A_217, %reduce_sum3A_218 [1] : vector<192x128xf32> to vector<192xf32>
    %broadcast_in_dim3A_220 = vector.shape_cast %reduce_sum3A_219 : vector<192xf32> to vector<192x1xf32>
    %swap3A_221 = arith.constant 0 : index
    %swap3A_222 = arith.constant 4 : index
    %swap3A_223 = vector.load %arg10[%swap3A_221, %swap3A_222] : memref<192x32xf32, #tpu.memory_space<vmem>>, vector<192x1xf32>
    tpu.vector_store %arg10[%swap3A_221, %swap3A_222], %broadcast_in_dim3A_220 {strides = array<i32>} : memref<192x32xf32, #tpu.memory_space<vmem>>, vector<192x1xf32>,
    %dma_wait3A_224 = arith.constant 0 : i32
    %dma_wait3A_225 = arith.constant 640 : i32
    %dma_wait3A_226 = tpu.memref_slice %arg9[%dma_wait3A_224, %dma_wait3A_225] : memref<192x3840xf32, #tpu.memory_space<vmem>> -> memref<192x128xf32, #tpu.memory_space<vmem>>
    %dma_wait3A_227 = arith.constant 0 : i32
    %dma_wait3A_228 = arith.constant 0 : i32
    %dma_wait3A_229 = tpu.memref_slice %arg1[%dma_wait3A_227, %dma_wait3A_228] : memref<192x147456xf32, #tpu.memory_space<any>> -> memref<192x128xf32, #tpu.memory_space<any>>
    tpu.wait_dma2 semaphore(%arg11 : memref<!tpu.dma_semaphore, #tpu.memory_space<semaphore_mem>>) src(%dma_wait3A_229 : memref<192x128xf32, #tpu.memory_space<any>>) dst(%dma_wait3A_226 : memref<192x128xf32, #tpu.memory_space<vmem>>)
    %get3A_230 = arith.constant 0 : index
    %get3A_231 = arith.constant 640 : index
    %get3A_232 = vector.load %arg9[%get3A_230, %get3A_231] : memref<192x3840xf32, #tpu.memory_space<vmem>>, vector<192x128xf32>
    %get3A_233 = arith.constant 5 : index
    %get3A_234 = memref.load %arg8[%get3A_233] : memref<32xi32, #tpu.memory_space<smem>>
    %and3A_235 = arith.constant 127 : i32
    %and3A_236 = arith.andi %get3A_234, %and3A_235 : i32
    %eq3A_237 = vector.broadcast %and3A_236 : i32 to vector<1x128xi32>
    %eq3A_238 = arith.cmpi eq, %iota3A_96, %eq3A_237 : vector<1x128xi32>
    %jit3A_239 = arith.constant 0.000000e+00 : f32
    %broadcast_in_dim3A_240 = vector.shape_cast %eq3A_238 : vector<1x128xi1> to vector<1x128xi1>
    %broadcast_in_dim3A_241 = vector.broadcast %broadcast_in_dim3A_240 : vector<1x128xi1> to vector<192x128xi1>
    %broadcast_in_dim3A_242 = vector.broadcast %jit3A_239 : f32 to vector<192x128xf32>
    %select_n3A_243 = arith.select %broadcast_in_dim3A_241, %get3A_232, %broadcast_in_dim3A_242 : vector<192x128xi1>, vector<192x128xf32>
    %reduce_sum3A_244 = arith.constant dense<0.000000e+00> : vector<192xf32>
    %reduce_sum3A_245 = vector.multi_reduction <add>, %select_n3A_243, %reduce_sum3A_244 [1] : vector<192x128xf32> to vector<192xf32>
    %broadcast_in_dim3A_246 = vector.shape_cast %reduce_sum3A_245 : vector<192xf32> to vector<192x1xf32>
    %swap3A_247 = arith.constant 0 : index
    %swap3A_248 = arith.constant 5 : index
    %swap3A_249 = vector.load %arg10[%swap3A_247, %swap3A_248] : memref<192x32xf32, #tpu.memory_space<vmem>>, vector<192x1xf32>
    tpu.vector_store %arg10[%swap3A_247, %swap3A_248], %broadcast_in_dim3A_246 {strides = array<i32>} : memref<192x32xf32, #tpu.memory_space<vmem>>, vector<192x1xf32>,
    %dma_wait3A_250 = arith.constant 0 : i32
    %dma_wait3A_251 = arith.constant 768 : i32
    %dma_wait3A_252 = tpu.memref_slice %arg9[%dma_wait3A_250, %dma_wait3A_251] : memref<192x3840xf32, #tpu.memory_space<vmem>> -> memref<192x128xf32, #tpu.memory_space<vmem>>
    %dma_wait3A_253 = arith.constant 0 : i32
    %dma_wait3A_254 = arith.constant 0 : i32
    %dma_wait3A_255 = tpu.memref_slice %arg1[%dma_wait3A_253, %dma_wait3A_254] : memref<192x147456xf32, #tpu.memory_space<any>> -> memref<192x128xf32, #tpu.memory_space<any>>
    tpu.wait_dma2 semaphore(%arg11 : memref<!tpu.dma_semaphore, #tpu.memory_space<semaphore_mem>>) src(%dma_wait3A_255 : memref<192x128xf32, #tpu.memory_space<any>>) dst(%dma_wait3A_252 : memref<192x128xf32, #tpu.memory_space<vmem>>)
    %get3A_256 = arith.constant 0 : index
    %get3A_257 = arith.constant 768 : index
    %get3A_258 = vector.load %arg9[%get3A_256, %get3A_257] : memref<192x3840xf32, #tpu.memory_space<vmem>>, vector<192x128xf32>
    %get3A_259 = arith.constant 6 : index
    %get3A_260 = memref.load %arg8[%get3A_259] : memref<32xi32, #tpu.memory_space<smem>>
    %and3A_261 = arith.constant 127 : i32
    %and3A_262 = arith.andi %get3A_260, %and3A_261 : i32
    %eq3A_263 = vector.broadcast %and3A_262 : i32 to vector<1x128xi32>
    %eq3A_264 = arith.cmpi eq, %iota3A_96, %eq3A_263 : vector<1x128xi32>
    %jit3A_265 = arith.constant 0.000000e+00 : f32
    %broadcast_in_dim3A_266 = vector.shape_cast %eq3A_264 : vector<1x128xi1> to vector<1x128xi1>
    %broadcast_in_dim3A_267 = vector.broadcast %broadcast_in_dim3A_266 : vector<1x128xi1> to vector<192x128xi1>
    %broadcast_in_dim3A_268 = vector.broadcast %jit3A_265 : f32 to vector<192x128xf32>
    %select_n3A_269 = arith.select %broadcast_in_dim3A_267, %get3A_258, %broadcast_in_dim3A_268 : vector<192x128xi1>, vector<192x128xf32>
    %reduce_sum3A_270 = arith.constant dense<0.000000e+00> : vector<192xf32>
    %reduce_sum3A_271 = vector.multi_reduction <add>, %select_n3A_269, %reduce_sum3A_270 [1] : vector<192x128xf32> to vector<192xf32>
    %broadcast_in_dim3A_272 = vector.shape_cast %reduce_sum3A_271 : vector<192xf32> to vector<192x1xf32>
    %swap3A_273 = arith.constant 0 : index
    %swap3A_274 = arith.constant 6 : index
    %swap3A_275 = vector.load %arg10[%swap3A_273, %swap3A_274] : memref<192x32xf32, #tpu.memory_space<vmem>>, vector<192x1xf32>
    tpu.vector_store %arg10[%swap3A_273, %swap3A_274], %broadcast_in_dim3A_272 {strides = array<i32>} : memref<192x32xf32, #tpu.memory_space<vmem>>, vector<192x1xf32>,
    %dma_wait3A_276 = arith.constant 0 : i32
    %dma_wait3A_277 = arith.constant 896 : i32
    %dma_wait3A_278 = tpu.memref_slice %arg9[%dma_wait3A_276, %dma_wait3A_277] : memref<192x3840xf32, #tpu.memory_space<vmem>> -> memref<192x128xf32, #tpu.memory_space<vmem>>
    %dma_wait3A_279 = arith.constant 0 : i32
    %dma_wait3A_280 = arith.constant 0 : i32
    %dma_wait3A_281 = tpu.memref_slice %arg1[%dma_wait3A_279, %dma_wait3A_280] : memref<192x147456xf32, #tpu.memory_space<any>> -> memref<192x128xf32, #tpu.memory_space<any>>
    tpu.wait_dma2 semaphore(%arg11 : memref<!tpu.dma_semaphore, #tpu.memory_space<semaphore_mem>>) src(%dma_wait3A_281 : memref<192x128xf32, #tpu.memory_space<any>>) dst(%dma_wait3A_278 : memref<192x128xf32, #tpu.memory_space<vmem>>)
    %get3A_282 = arith.constant 0 : index
    %get3A_283 = arith.constant 896 : index
    %get3A_284 = vector.load %arg9[%get3A_282, %get3A_283] : memref<192x3840xf32, #tpu.memory_space<vmem>>, vector<192x128xf32>
    %get3A_285 = arith.constant 7 : index
    %get3A_286 = memref.load %arg8[%get3A_285] : memref<32xi32, #tpu.memory_space<smem>>
    %and3A_287 = arith.constant 127 : i32
    %and3A_288 = arith.andi %get3A_286, %and3A_287 : i32
    %eq3A_289 = vector.broadcast %and3A_288 : i32 to vector<1x128xi32>
    %eq3A_290 = arith.cmpi eq, %iota3A_96, %eq3A_289 : vector<1x128xi32>
    %jit3A_291 = arith.constant 0.000000e+00 : f32
    %broadcast_in_dim3A_292 = vector.shape_cast %eq3A_290 : vector<1x128xi1> to vector<1x128xi1>
    %broadcast_in_dim3A_293 = vector.broadcast %broadcast_in_dim3A_292 : vector<1x128xi1> to vector<192x128xi1>
    %broadcast_in_dim3A_294 = vector.broadcast %jit3A_291 : f32 to vector<192x128xf32>
    %select_n3A_295 = arith.select %broadcast_in_dim3A_293, %get3A_284, %broadcast_in_dim3A_294 : vector<192x128xi1>, vector<192x128xf32>
    %reduce_sum3A_296 = arith.constant dense<0.000000e+00> : vector<192xf32>
    %reduce_sum3A_297 = vector.multi_reduction <add>, %select_n3A_295, %reduce_sum3A_296 [1] : vector<192x128xf32> to vector<192xf32>
    %broadcast_in_dim3A_298 = vector.shape_cast %reduce_sum3A_297 : vector<192xf32> to vector<192x1xf32>
    %swap3A_299 = arith.constant 0 : index
    %swap3A_300 = arith.constant 7 : index
    %swap3A_301 = vector.load %arg10[%swap3A_299, %swap3A_300] : memref<192x32xf32, #tpu.memory_space<vmem>>, vector<192x1xf32>
    tpu.vector_store %arg10[%swap3A_299, %swap3A_300], %broadcast_in_dim3A_298 {strides = array<i32>} : memref<192x32xf32, #tpu.memory_space<vmem>>, vector<192x1xf32>,
    %dma_wait3A_302 = arith.constant 0 : i32
    %dma_wait3A_303 = arith.constant 1024 : i32
    %dma_wait3A_304 = tpu.memref_slice %arg9[%dma_wait3A_302, %dma_wait3A_303] : memref<192x3840xf32, #tpu.memory_space<vmem>> -> memref<192x128xf32, #tpu.memory_space<vmem>>
    %dma_wait3A_305 = arith.constant 0 : i32
    %dma_wait3A_306 = arith.constant 0 : i32
    %dma_wait3A_307 = tpu.memref_slice %arg1[%dma_wait3A_305, %dma_wait3A_306] : memref<192x147456xf32, #tpu.memory_space<any>> -> memref<192x128xf32, #tpu.memory_space<any>>
    tpu.wait_dma2 semaphore(%arg11 : memref<!tpu.dma_semaphore, #tpu.memory_space<semaphore_mem>>) src(%dma_wait3A_307 : memref<192x128xf32, #tpu.memory_space<any>>) dst(%dma_wait3A_304 : memref<192x128xf32, #tpu.memory_space<vmem>>)
    %get3A_308 = arith.constant 0 : index
    %get3A_309 = arith.constant 1024 : index
    %get3A_310 = vector.load %arg9[%get3A_308, %get3A_309] : memref<192x3840xf32, #tpu.memory_space<vmem>>, vector<192x128xf32>
    %get3A_311 = arith.constant 8 : index
    %get3A_312 = memref.load %arg8[%get3A_311] : memref<32xi32, #tpu.memory_space<smem>>
    %and3A_313 = arith.constant 127 : i32
    %and3A_314 = arith.andi %get3A_312, %and3A_313 : i32
    %eq3A_315 = vector.broadcast %and3A_314 : i32 to vector<1x128xi32>
    %eq3A_316 = arith.cmpi eq, %iota3A_96, %eq3A_315 : vector<1x128xi32>
    %jit3A_317 = arith.constant 0.000000e+00 : f32
    %broadcast_in_dim3A_318 = vector.shape_cast %eq3A_316 : vector<1x128xi1> to vector<1x128xi1>
    %broadcast_in_dim3A_319 = vector.broadcast %broadcast_in_dim3A_318 : vector<1x128xi1> to vector<192x128xi1>
    %broadcast_in_dim3A_320 = vector.broadcast %jit3A_317 : f32 to vector<192x128xf32>
    %select_n3A_321 = arith.select %broadcast_in_dim3A_319, %get3A_310, %broadcast_in_dim3A_320 : vector<192x128xi1>, vector<192x128xf32>
    %reduce_sum3A_322 = arith.constant dense<0.000000e+00> : vector<192xf32>
    %reduce_sum3A_323 = vector.multi_reduction <add>, %select_n3A_321, %reduce_sum3A_322 [1] : vector<192x128xf32> to vector<192xf32>
    %broadcast_in_dim3A_324 = vector.shape_cast %reduce_sum3A_323 : vector<192xf32> to vector<192x1xf32>
    %swap3A_325 = arith.constant 0 : index
    %swap3A_326 = arith.constant 8 : index
    %swap3A_327 = vector.load %arg10[%swap3A_325, %swap3A_326] : memref<192x32xf32, #tpu.memory_space<vmem>>, vector<192x1xf32>
    tpu.vector_store %arg10[%swap3A_325, %swap3A_326], %broadcast_in_dim3A_324 {strides = array<i32>} : memref<192x32xf32, #tpu.memory_space<vmem>>, vector<192x1xf32>,
    %dma_wait3A_328 = arith.constant 0 : i32
    %dma_wait3A_329 = arith.constant 1152 : i32
    %dma_wait3A_330 = tpu.memref_slice %arg9[%dma_wait3A_328, %dma_wait3A_329] : memref<192x3840xf32, #tpu.memory_space<vmem>> -> memref<192x128xf32, #tpu.memory_space<vmem>>
    %dma_wait3A_331 = arith.constant 0 : i32
    %dma_wait3A_332 = arith.constant 0 : i32
    %dma_wait3A_333 = tpu.memref_slice %arg1[%dma_wait3A_331, %dma_wait3A_332] : memref<192x147456xf32, #tpu.memory_space<any>> -> memref<192x128xf32, #tpu.memory_space<any>>
    tpu.wait_dma2 semaphore(%arg11 : memref<!tpu.dma_semaphore, #tpu.memory_space<semaphore_mem>>) src(%dma_wait3A_333 : memref<192x128xf32, #tpu.memory_space<any>>) dst(%dma_wait3A_330 : memref<192x128xf32, #tpu.memory_space<vmem>>)
    %get3A_334 = arith.constant 0 : index
    %get3A_335 = arith.constant 1152 : index
    %get3A_336 = vector.load %arg9[%get3A_334, %get3A_335] : memref<192x3840xf32, #tpu.memory_space<vmem>>, vector<192x128xf32>
    %get3A_337 = arith.constant 9 : index
    %get3A_338 = memref.load %arg8[%get3A_337] : memref<32xi32, #tpu.memory_space<smem>>
    %and3A_339 = arith.constant 127 : i32
    %and3A_340 = arith.andi %get3A_338, %and3A_339 : i32
    %eq3A_341 = vector.broadcast %and3A_340 : i32 to vector<1x128xi32>
    %eq3A_342 = arith.cmpi eq, %iota3A_96, %eq3A_341 : vector<1x128xi32>
    %jit3A_343 = arith.constant 0.000000e+00 : f32
    %broadcast_in_dim3A_344 = vector.shape_cast %eq3A_342 : vector<1x128xi1> to vector<1x128xi1>
    %broadcast_in_dim3A_345 = vector.broadcast %broadcast_in_dim3A_344 : vector<1x128xi1> to vector<192x128xi1>
    %broadcast_in_dim3A_346 = vector.broadcast %jit3A_343 : f32 to vector<192x128xf32>
    %select_n3A_347 = arith.select %broadcast_in_dim3A_345, %get3A_336, %broadcast_in_dim3A_346 : vector<192x128xi1>, vector<192x128xf32>
    %reduce_sum3A_348 = arith.constant dense<0.000000e+00> : vector<192xf32>
    %reduce_sum3A_349 = vector.multi_reduction <add>, %select_n3A_347, %reduce_sum3A_348 [1] : vector<192x128xf32> to vector<192xf32>
    %broadcast_in_dim3A_350 = vector.shape_cast %reduce_sum3A_349 : vector<192xf32> to vector<192x1xf32>
    %swap3A_351 = arith.constant 0 : index
    %swap3A_352 = arith.constant 9 : index
    %swap3A_353 = vector.load %arg10[%swap3A_351, %swap3A_352] : memref<192x32xf32, #tpu.memory_space<vmem>>, vector<192x1xf32>
    tpu.vector_store %arg10[%swap3A_351, %swap3A_352], %broadcast_in_dim3A_350 {strides = array<i32>} : memref<192x32xf32, #tpu.memory_space<vmem>>, vector<192x1xf32>,
    %dma_wait3A_354 = arith.constant 0 : i32
    %dma_wait3A_355 = arith.constant 1280 : i32
    %dma_wait3A_356 = tpu.memref_slice %arg9[%dma_wait3A_354, %dma_wait3A_355] : memref<192x3840xf32, #tpu.memory_space<vmem>> -> memref<192x128xf32, #tpu.memory_space<vmem>>
    %dma_wait3A_357 = arith.constant 0 : i32
    %dma_wait3A_358 = arith.constant 0 : i32
    %dma_wait3A_359 = tpu.memref_slice %arg1[%dma_wait3A_357, %dma_wait3A_358] : memref<192x147456xf32, #tpu.memory_space<any>> -> memref<192x128xf32, #tpu.memory_space<any>>
    tpu.wait_dma2 semaphore(%arg11 : memref<!tpu.dma_semaphore, #tpu.memory_space<semaphore_mem>>) src(%dma_wait3A_359 : memref<192x128xf32, #tpu.memory_space<any>>) dst(%dma_wait3A_356 : memref<192x128xf32, #tpu.memory_space<vmem>>)
    %get3A_360 = arith.constant 0 : index
    %get3A_361 = arith.constant 1280 : index
    %get3A_362 = vector.load %arg9[%get3A_360, %get3A_361] : memref<192x3840xf32, #tpu.memory_space<vmem>>, vector<192x128xf32>
    %get3A_363 = arith.constant 10 : index
    %get3A_364 = memref.load %arg8[%get3A_363] : memref<32xi32, #tpu.memory_space<smem>>
    %and3A_365 = arith.constant 127 : i32
    %and3A_366 = arith.andi %get3A_364, %and3A_365 : i32
    %eq3A_367 = vector.broadcast %and3A_366 : i32 to vector<1x128xi32>
    %eq3A_368 = arith.cmpi eq, %iota3A_96, %eq3A_367 : vector<1x128xi32>
    %jit3A_369 = arith.constant 0.000000e+00 : f32
    %broadcast_in_dim3A_370 = vector.shape_cast %eq3A_368 : vector<1x128xi1> to vector<1x128xi1>
    %broadcast_in_dim3A_371 = vector.broadcast %broadcast_in_dim3A_370 : vector<1x128xi1> to vector<192x128xi1>
    %broadcast_in_dim3A_372 = vector.broadcast %jit3A_369 : f32 to vector<192x128xf32>
    %select_n3A_373 = arith.select %broadcast_in_dim3A_371, %get3A_362, %broadcast_in_dim3A_372 : vector<192x128xi1>, vector<192x128xf32>
    %reduce_sum3A_374 = arith.constant dense<0.000000e+00> : vector<192xf32>
    %reduce_sum3A_375 = vector.multi_reduction <add>, %select_n3A_373, %reduce_sum3A_374 [1] : vector<192x128xf32> to vector<192xf32>
    %broadcast_in_dim3A_376 = vector.shape_cast %reduce_sum3A_375 : vector<192xf32> to vector<192x1xf32>
    %swap3A_377 = arith.constant 0 : index
    %swap3A_378 = arith.constant 10 : index
    %swap3A_379 = vector.load %arg10[%swap3A_377, %swap3A_378] : memref<192x32xf32, #tpu.memory_space<vmem>>, vector<192x1xf32>
    tpu.vector_store %arg10[%swap3A_377, %swap3A_378], %broadcast_in_dim3A_376 {strides = array<i32>} : memref<192x32xf32, #tpu.memory_space<vmem>>, vector<192x1xf32>,
    %dma_wait3A_380 = arith.constant 0 : i32
    %dma_wait3A_381 = arith.constant 1408 : i32
    %dma_wait3A_382 = tpu.memref_slice %arg9[%dma_wait3A_380, %dma_wait3A_381] : memref<192x3840xf32, #tpu.memory_space<vmem>> -> memref<192x128xf32, #tpu.memory_space<vmem>>
    %dma_wait3A_383 = arith.constant 0 : i32
    %dma_wait3A_384 = arith.constant 0 : i32
    %dma_wait3A_385 = tpu.memref_slice %arg1[%dma_wait3A_383, %dma_wait3A_384] : memref<192x147456xf32, #tpu.memory_space<any>> -> memref<192x128xf32, #tpu.memory_space<any>>
    tpu.wait_dma2 semaphore(%arg11 : memref<!tpu.dma_semaphore, #tpu.memory_space<semaphore_mem>>) src(%dma_wait3A_385 : memref<192x128xf32, #tpu.memory_space<any>>) dst(%dma_wait3A_382 : memref<192x128xf32, #tpu.memory_space<vmem>>)
    %get3A_386 = arith.constant 0 : index
    %get3A_387 = arith.constant 1408 : index
    %get3A_388 = vector.load %arg9[%get3A_386, %get3A_387] : memref<192x3840xf32, #tpu.memory_space<vmem>>, vector<192x128xf32>
    %get3A_389 = arith.constant 11 : index
    %get3A_390 = memref.load %arg8[%get3A_389] : memref<32xi32, #tpu.memory_space<smem>>
    %and3A_391 = arith.constant 127 : i32
    %and3A_392 = arith.andi %get3A_390, %and3A_391 : i32
    %eq3A_393 = vector.broadcast %and3A_392 : i32 to vector<1x128xi32>
    %eq3A_394 = arith.cmpi eq, %iota3A_96, %eq3A_393 : vector<1x128xi32>
    %jit3A_395 = arith.constant 0.000000e+00 : f32
    %broadcast_in_dim3A_396 = vector.shape_cast %eq3A_394 : vector<1x128xi1> to vector<1x128xi1>
    %broadcast_in_dim3A_397 = vector.broadcast %broadcast_in_dim3A_396 : vector<1x128xi1> to vector<192x128xi1>
    %broadcast_in_dim3A_398 = vector.broadcast %jit3A_395 : f32 to vector<192x128xf32>
    %select_n3A_399 = arith.select %broadcast_in_dim3A_397, %get3A_388, %broadcast_in_dim3A_398 : vector<192x128xi1>, vector<192x128xf32>
    %reduce_sum3A_400 = arith.constant dense<0.000000e+00> : vector<192xf32>
    %reduce_sum3A_401 = vector.multi_reduction <add>, %select_n3A_399, %reduce_sum3A_400 [1] : vector<192x128xf32> to vector<192xf32>
    %broadcast_in_dim3A_402 = vector.shape_cast %reduce_sum3A_401 : vector<192xf32> to vector<192x1xf32>
    %swap3A_403 = arith.constant 0 : index
    %swap3A_404 = arith.constant 11 : index
    %swap3A_405 = vector.load %arg10[%swap3A_403, %swap3A_404] : memref<192x32xf32, #tpu.memory_space<vmem>>, vector<192x1xf32>
    tpu.vector_store %arg10[%swap3A_403, %swap3A_404], %broadcast_in_dim3A_402 {strides = array<i32>} : memref<192x32xf32, #tpu.memory_space<vmem>>, vector<192x1xf32>,
    %dma_wait3A_406 = arith.constant 0 : i32
    %dma_wait3A_407 = arith.constant 1536 : i32
    %dma_wait3A_408 = tpu.memref_slice %arg9[%dma_wait3A_406, %dma_wait3A_407] : memref<192x3840xf32, #tpu.memory_space<vmem>> -> memref<192x128xf32, #tpu.memory_space<vmem>>
    %dma_wait3A_409 = arith.constant 0 : i32
    %dma_wait3A_410 = arith.constant 0 : i32
    %dma_wait3A_411 = tpu.memref_slice %arg1[%dma_wait3A_409, %dma_wait3A_410] : memref<192x147456xf32, #tpu.memory_space<any>> -> memref<192x128xf32, #tpu.memory_space<any>>
    tpu.wait_dma2 semaphore(%arg11 : memref<!tpu.dma_semaphore, #tpu.memory_space<semaphore_mem>>) src(%dma_wait3A_411 : memref<192x128xf32, #tpu.memory_space<any>>) dst(%dma_wait3A_408 : memref<192x128xf32, #tpu.memory_space<vmem>>)
    %get3A_412 = arith.constant 0 : index
    %get3A_413 = arith.constant 1536 : index
    %get3A_414 = vector.load %arg9[%get3A_412, %get3A_413] : memref<192x3840xf32, #tpu.memory_space<vmem>>, vector<192x128xf32>
    %get3A_415 = arith.constant 12 : index
    %get3A_416 = memref.load %arg8[%get3A_415] : memref<32xi32, #tpu.memory_space<smem>>
    %and3A_417 = arith.constant 127 : i32
    %and3A_418 = arith.andi %get3A_416, %and3A_417 : i32
    %eq3A_419 = vector.broadcast %and3A_418 : i32 to vector<1x128xi32>
    %eq3A_420 = arith.cmpi eq, %iota3A_96, %eq3A_419 : vector<1x128xi32>
    %jit3A_421 = arith.constant 0.000000e+00 : f32
    %broadcast_in_dim3A_422 = vector.shape_cast %eq3A_420 : vector<1x128xi1> to vector<1x128xi1>
    %broadcast_in_dim3A_423 = vector.broadcast %broadcast_in_dim3A_422 : vector<1x128xi1> to vector<192x128xi1>
    %broadcast_in_dim3A_424 = vector.broadcast %jit3A_421 : f32 to vector<192x128xf32>
    %select_n3A_425 = arith.select %broadcast_in_dim3A_423, %get3A_414, %broadcast_in_dim3A_424 : vector<192x128xi1>, vector<192x128xf32>
    %reduce_sum3A_426 = arith.constant dense<0.000000e+00> : vector<192xf32>
    %reduce_sum3A_427 = vector.multi_reduction <add>, %select_n3A_425, %reduce_sum3A_426 [1] : vector<192x128xf32> to vector<192xf32>
    %broadcast_in_dim3A_428 = vector.shape_cast %reduce_sum3A_427 : vector<192xf32> to vector<192x1xf32>
    %swap3A_429 = arith.constant 0 : index
    %swap3A_430 = arith.constant 12 : index
    %swap3A_431 = vector.load %arg10[%swap3A_429, %swap3A_430] : memref<192x32xf32, #tpu.memory_space<vmem>>, vector<192x1xf32>
    tpu.vector_store %arg10[%swap3A_429, %swap3A_430], %broadcast_in_dim3A_428 {strides = array<i32>} : memref<192x32xf32, #tpu.memory_space<vmem>>, vector<192x1xf32>,
    %dma_wait3A_432 = arith.constant 0 : i32
    %dma_wait3A_433 = arith.constant 1664 : i32
    %dma_wait3A_434 = tpu.memref_slice %arg9[%dma_wait3A_432, %dma_wait3A_433] : memref<192x3840xf32, #tpu.memory_space<vmem>> -> memref<192x128xf32, #tpu.memory_space<vmem>>
    %dma_wait3A_435 = arith.constant 0 : i32
    %dma_wait3A_436 = arith.constant 0 : i32
    %dma_wait3A_437 = tpu.memref_slice %arg1[%dma_wait3A_435, %dma_wait3A_436] : memref<192x147456xf32, #tpu.memory_space<any>> -> memref<192x128xf32, #tpu.memory_space<any>>
    tpu.wait_dma2 semaphore(%arg11 : memref<!tpu.dma_semaphore, #tpu.memory_space<semaphore_mem>>) src(%dma_wait3A_437 : memref<192x128xf32, #tpu.memory_space<any>>) dst(%dma_wait3A_434 : memref<192x128xf32, #tpu.memory_space<vmem>>)
    %get3A_438 = arith.constant 0 : index
    %get3A_439 = arith.constant 1664 : index
    %get3A_440 = vector.load %arg9[%get3A_438, %get3A_439] : memref<192x3840xf32, #tpu.memory_space<vmem>>, vector<192x128xf32>
    %get3A_441 = arith.constant 13 : index
    %get3A_442 = memref.load %arg8[%get3A_441] : memref<32xi32, #tpu.memory_space<smem>>
    %and3A_443 = arith.constant 127 : i32
    %and3A_444 = arith.andi %get3A_442, %and3A_443 : i32
    %eq3A_445 = vector.broadcast %and3A_444 : i32 to vector<1x128xi32>
    %eq3A_446 = arith.cmpi eq, %iota3A_96, %eq3A_445 : vector<1x128xi32>
    %jit3A_447 = arith.constant 0.000000e+00 : f32
    %broadcast_in_dim3A_448 = vector.shape_cast %eq3A_446 : vector<1x128xi1> to vector<1x128xi1>
    %broadcast_in_dim3A_449 = vector.broadcast %broadcast_in_dim3A_448 : vector<1x128xi1> to vector<192x128xi1>
    %broadcast_in_dim3A_450 = vector.broadcast %jit3A_447 : f32 to vector<192x128xf32>
    %select_n3A_451 = arith.select %broadcast_in_dim3A_449, %get3A_440, %broadcast_in_dim3A_450 : vector<192x128xi1>, vector<192x128xf32>
    %reduce_sum3A_452 = arith.constant dense<0.000000e+00> : vector<192xf32>
    %reduce_sum3A_453 = vector.multi_reduction <add>, %select_n3A_451, %reduce_sum3A_452 [1] : vector<192x128xf32> to vector<192xf32>
    %broadcast_in_dim3A_454 = vector.shape_cast %reduce_sum3A_453 : vector<192xf32> to vector<192x1xf32>
    %swap3A_455 = arith.constant 0 : index
    %swap3A_456 = arith.constant 13 : index
    %swap3A_457 = vector.load %arg10[%swap3A_455, %swap3A_456] : memref<192x32xf32, #tpu.memory_space<vmem>>, vector<192x1xf32>
    tpu.vector_store %arg10[%swap3A_455, %swap3A_456], %broadcast_in_dim3A_454 {strides = array<i32>} : memref<192x32xf32, #tpu.memory_space<vmem>>, vector<192x1xf32>,
    %dma_wait3A_458 = arith.constant 0 : i32
    %dma_wait3A_459 = arith.constant 1792 : i32
    %dma_wait3A_460 = tpu.memref_slice %arg9[%dma_wait3A_458, %dma_wait3A_459] : memref<192x3840xf32, #tpu.memory_space<vmem>> -> memref<192x128xf32, #tpu.memory_space<vmem>>
    %dma_wait3A_461 = arith.constant 0 : i32
    %dma_wait3A_462 = arith.constant 0 : i32
    %dma_wait3A_463 = tpu.memref_slice %arg1[%dma_wait3A_461, %dma_wait3A_462] : memref<192x147456xf32, #tpu.memory_space<any>> -> memref<192x128xf32, #tpu.memory_space<any>>
    tpu.wait_dma2 semaphore(%arg11 : memref<!tpu.dma_semaphore, #tpu.memory_space<semaphore_mem>>) src(%dma_wait3A_463 : memref<192x128xf32, #tpu.memory_space<any>>) dst(%dma_wait3A_460 : memref<192x128xf32, #tpu.memory_space<vmem>>)
    %get3A_464 = arith.constant 0 : index
    %get3A_465 = arith.constant 1792 : index
    %get3A_466 = vector.load %arg9[%get3A_464, %get3A_465] : memref<192x3840xf32, #tpu.memory_space<vmem>>, vector<192x128xf32>
    %get3A_467 = arith.constant 14 : index
    %get3A_468 = memref.load %arg8[%get3A_467] : memref<32xi32, #tpu.memory_space<smem>>
    %and3A_469 = arith.constant 127 : i32
    %and3A_470 = arith.andi %get3A_468, %and3A_469 : i32
    %eq3A_471 = vector.broadcast %and3A_470 : i32 to vector<1x128xi32>
    %eq3A_472 = arith.cmpi eq, %iota3A_96, %eq3A_471 : vector<1x128xi32>
    %jit3A_473 = arith.constant 0.000000e+00 : f32
    %broadcast_in_dim3A_474 = vector.shape_cast %eq3A_472 : vector<1x128xi1> to vector<1x128xi1>
    %broadcast_in_dim3A_475 = vector.broadcast %broadcast_in_dim3A_474 : vector<1x128xi1> to vector<192x128xi1>
    %broadcast_in_dim3A_476 = vector.broadcast %jit3A_473 : f32 to vector<192x128xf32>
    %select_n3A_477 = arith.select %broadcast_in_dim3A_475, %get3A_466, %broadcast_in_dim3A_476 : vector<192x128xi1>, vector<192x128xf32>
    %reduce_sum3A_478 = arith.constant dense<0.000000e+00> : vector<192xf32>
    %reduce_sum3A_479 = vector.multi_reduction <add>, %select_n3A_477, %reduce_sum3A_478 [1] : vector<192x128xf32> to vector<192xf32>
    %broadcast_in_dim3A_480 = vector.shape_cast %reduce_sum3A_479 : vector<192xf32> to vector<192x1xf32>
    %swap3A_481 = arith.constant 0 : index
    %swap3A_482 = arith.constant 14 : index
    %swap3A_483 = vector.load %arg10[%swap3A_481, %swap3A_482] : memref<192x32xf32, #tpu.memory_space<vmem>>, vector<192x1xf32>
    tpu.vector_store %arg10[%swap3A_481, %swap3A_482], %broadcast_in_dim3A_480 {strides = array<i32>} : memref<192x32xf32, #tpu.memory_space<vmem>>, vector<192x1xf32>,
    %dma_wait3A_484 = arith.constant 0 : i32
    %dma_wait3A_485 = arith.constant 1920 : i32
    %dma_wait3A_486 = tpu.memref_slice %arg9[%dma_wait3A_484, %dma_wait3A_485] : memref<192x3840xf32, #tpu.memory_space<vmem>> -> memref<192x128xf32, #tpu.memory_space<vmem>>
    %dma_wait3A_487 = arith.constant 0 : i32
    %dma_wait3A_488 = arith.constant 0 : i32
    %dma_wait3A_489 = tpu.memref_slice %arg1[%dma_wait3A_487, %dma_wait3A_488] : memref<192x147456xf32, #tpu.memory_space<any>> -> memref<192x128xf32, #tpu.memory_space<any>>
    tpu.wait_dma2 semaphore(%arg11 : memref<!tpu.dma_semaphore, #tpu.memory_space<semaphore_mem>>) src(%dma_wait3A_489 : memref<192x128xf32, #tpu.memory_space<any>>) dst(%dma_wait3A_486 : memref<192x128xf32, #tpu.memory_space<vmem>>)
    %get3A_490 = arith.constant 0 : index
    %get3A_491 = arith.constant 1920 : index
    %get3A_492 = vector.load %arg9[%get3A_490, %get3A_491] : memref<192x3840xf32, #tpu.memory_space<vmem>>, vector<192x128xf32>
    %get3A_493 = arith.constant 15 : index
    %get3A_494 = memref.load %arg8[%get3A_493] : memref<32xi32, #tpu.memory_space<smem>>
    %and3A_495 = arith.constant 127 : i32
    %and3A_496 = arith.andi %get3A_494, %and3A_495 : i32
    %eq3A_497 = vector.broadcast %and3A_496 : i32 to vector<1x128xi32>
    %eq3A_498 = arith.cmpi eq, %iota3A_96, %eq3A_497 : vector<1x128xi32>
    %jit3A_499 = arith.constant 0.000000e+00 : f32
    %broadcast_in_dim3A_500 = vector.shape_cast %eq3A_498 : vector<1x128xi1> to vector<1x128xi1>
    %broadcast_in_dim3A_501 = vector.broadcast %broadcast_in_dim3A_500 : vector<1x128xi1> to vector<192x128xi1>
    %broadcast_in_dim3A_502 = vector.broadcast %jit3A_499 : f32 to vector<192x128xf32>
    %select_n3A_503 = arith.select %broadcast_in_dim3A_501, %get3A_492, %broadcast_in_dim3A_502 : vector<192x128xi1>, vector<192x128xf32>
    %reduce_sum3A_504 = arith.constant dense<0.000000e+00> : vector<192xf32>
    %reduce_sum3A_505 = vector.multi_reduction <add>, %select_n3A_503, %reduce_sum3A_504 [1] : vector<192x128xf32> to vector<192xf32>
    %broadcast_in_dim3A_506 = vector.shape_cast %reduce_sum3A_505 : vector<192xf32> to vector<192x1xf32>
    %swap3A_507 = arith.constant 0 : index
    %swap3A_508 = arith.constant 15 : index
    %swap3A_509 = vector.load %arg10[%swap3A_507, %swap3A_508] : memref<192x32xf32, #tpu.memory_space<vmem>>, vector<192x1xf32>
    tpu.vector_store %arg10[%swap3A_507, %swap3A_508], %broadcast_in_dim3A_506 {strides = array<i32>} : memref<192x32xf32, #tpu.memory_space<vmem>>, vector<192x1xf32>,
    %dma_wait3A_510 = arith.constant 0 : i32
    %dma_wait3A_511 = arith.constant 2048 : i32
    %dma_wait3A_512 = tpu.memref_slice %arg9[%dma_wait3A_510, %dma_wait3A_511] : memref<192x3840xf32, #tpu.memory_space<vmem>> -> memref<192x128xf32, #tpu.memory_space<vmem>>
    %dma_wait3A_513 = arith.constant 0 : i32
    %dma_wait3A_514 = arith.constant 0 : i32
    %dma_wait3A_515 = tpu.memref_slice %arg1[%dma_wait3A_513, %dma_wait3A_514] : memref<192x147456xf32, #tpu.memory_space<any>> -> memref<192x128xf32, #tpu.memory_space<any>>
    tpu.wait_dma2 semaphore(%arg11 : memref<!tpu.dma_semaphore, #tpu.memory_space<semaphore_mem>>) src(%dma_wait3A_515 : memref<192x128xf32, #tpu.memory_space<any>>) dst(%dma_wait3A_512 : memref<192x128xf32, #tpu.memory_space<vmem>>)
    %get3A_516 = arith.constant 0 : index
    %get3A_517 = arith.constant 2048 : index
    %get3A_518 = vector.load %arg9[%get3A_516, %get3A_517] : memref<192x3840xf32, #tpu.memory_space<vmem>>, vector<192x128xf32>
    %get3A_519 = arith.constant 16 : index
    %get3A_520 = memref.load %arg8[%get3A_519] : memref<32xi32, #tpu.memory_space<smem>>
    %and3A_521 = arith.constant 127 : i32
    %and3A_522 = arith.andi %get3A_520, %and3A_521 : i32
    %eq3A_523 = vector.broadcast %and3A_522 : i32 to vector<1x128xi32>
    %eq3A_524 = arith.cmpi eq, %iota3A_96, %eq3A_523 : vector<1x128xi32>
    %jit3A_525 = arith.constant 0.000000e+00 : f32
    %broadcast_in_dim3A_526 = vector.shape_cast %eq3A_524 : vector<1x128xi1> to vector<1x128xi1>
    %broadcast_in_dim3A_527 = vector.broadcast %broadcast_in_dim3A_526 : vector<1x128xi1> to vector<192x128xi1>
    %broadcast_in_dim3A_528 = vector.broadcast %jit3A_525 : f32 to vector<192x128xf32>
    %select_n3A_529 = arith.select %broadcast_in_dim3A_527, %get3A_518, %broadcast_in_dim3A_528 : vector<192x128xi1>, vector<192x128xf32>
    %reduce_sum3A_530 = arith.constant dense<0.000000e+00> : vector<192xf32>
    %reduce_sum3A_531 = vector.multi_reduction <add>, %select_n3A_529, %reduce_sum3A_530 [1] : vector<192x128xf32> to vector<192xf32>
    %broadcast_in_dim3A_532 = vector.shape_cast %reduce_sum3A_531 : vector<192xf32> to vector<192x1xf32>
    %swap3A_533 = arith.constant 0 : index
    %swap3A_534 = arith.constant 16 : index
    %swap3A_535 = vector.load %arg10[%swap3A_533, %swap3A_534] : memref<192x32xf32, #tpu.memory_space<vmem>>, vector<192x1xf32>
    tpu.vector_store %arg10[%swap3A_533, %swap3A_534], %broadcast_in_dim3A_532 {strides = array<i32>} : memref<192x32xf32, #tpu.memory_space<vmem>>, vector<192x1xf32>,
    %dma_wait3A_536 = arith.constant 0 : i32
    %dma_wait3A_537 = arith.constant 2176 : i32
    %dma_wait3A_538 = tpu.memref_slice %arg9[%dma_wait3A_536, %dma_wait3A_537] : memref<192x3840xf32, #tpu.memory_space<vmem>> -> memref<192x128xf32, #tpu.memory_space<vmem>>
    %dma_wait3A_539 = arith.constant 0 : i32
    %dma_wait3A_540 = arith.constant 0 : i32
    %dma_wait3A_541 = tpu.memref_slice %arg1[%dma_wait3A_539, %dma_wait3A_540] : memref<192x147456xf32, #tpu.memory_space<any>> -> memref<192x128xf32, #tpu.memory_space<any>>
    tpu.wait_dma2 semaphore(%arg11 : memref<!tpu.dma_semaphore, #tpu.memory_space<semaphore_mem>>) src(%dma_wait3A_541 : memref<192x128xf32, #tpu.memory_space<any>>) dst(%dma_wait3A_538 : memref<192x128xf32, #tpu.memory_space<vmem>>)
    %get3A_542 = arith.constant 0 : index
    %get3A_543 = arith.constant 2176 : index
    %get3A_544 = vector.load %arg9[%get3A_542, %get3A_543] : memref<192x3840xf32, #tpu.memory_space<vmem>>, vector<192x128xf32>
    %get3A_545 = arith.constant 17 : index
    %get3A_546 = memref.load %arg8[%get3A_545] : memref<32xi32, #tpu.memory_space<smem>>
    %and3A_547 = arith.constant 127 : i32
    %and3A_548 = arith.andi %get3A_546, %and3A_547 : i32
    %eq3A_549 = vector.broadcast %and3A_548 : i32 to vector<1x128xi32>
    %eq3A_550 = arith.cmpi eq, %iota3A_96, %eq3A_549 : vector<1x128xi32>
    %jit3A_551 = arith.constant 0.000000e+00 : f32
    %broadcast_in_dim3A_552 = vector.shape_cast %eq3A_550 : vector<1x128xi1> to vector<1x128xi1>
    %broadcast_in_dim3A_553 = vector.broadcast %broadcast_in_dim3A_552 : vector<1x128xi1> to vector<192x128xi1>
    %broadcast_in_dim3A_554 = vector.broadcast %jit3A_551 : f32 to vector<192x128xf32>
    %select_n3A_555 = arith.select %broadcast_in_dim3A_553, %get3A_544, %broadcast_in_dim3A_554 : vector<192x128xi1>, vector<192x128xf32>
    %reduce_sum3A_556 = arith.constant dense<0.000000e+00> : vector<192xf32>
    %reduce_sum3A_557 = vector.multi_reduction <add>, %select_n3A_555, %reduce_sum3A_556 [1] : vector<192x128xf32> to vector<192xf32>
    %broadcast_in_dim3A_558 = vector.shape_cast %reduce_sum3A_557 : vector<192xf32> to vector<192x1xf32>
    %swap3A_559 = arith.constant 0 : index
    %swap3A_560 = arith.constant 17 : index
    %swap3A_561 = vector.load %arg10[%swap3A_559, %swap3A_560] : memref<192x32xf32, #tpu.memory_space<vmem>>, vector<192x1xf32>
    tpu.vector_store %arg10[%swap3A_559, %swap3A_560], %broadcast_in_dim3A_558 {strides = array<i32>} : memref<192x32xf32, #tpu.memory_space<vmem>>, vector<192x1xf32>,
    %dma_wait3A_562 = arith.constant 0 : i32
    %dma_wait3A_563 = arith.constant 2304 : i32
    %dma_wait3A_564 = tpu.memref_slice %arg9[%dma_wait3A_562, %dma_wait3A_563] : memref<192x3840xf32, #tpu.memory_space<vmem>> -> memref<192x128xf32, #tpu.memory_space<vmem>>
    %dma_wait3A_565 = arith.constant 0 : i32
    %dma_wait3A_566 = arith.constant 0 : i32
    %dma_wait3A_567 = tpu.memref_slice %arg1[%dma_wait3A_565, %dma_wait3A_566] : memref<192x147456xf32, #tpu.memory_space<any>> -> memref<192x128xf32, #tpu.memory_space<any>>
    tpu.wait_dma2 semaphore(%arg11 : memref<!tpu.dma_semaphore, #tpu.memory_space<semaphore_mem>>) src(%dma_wait3A_567 : memref<192x128xf32, #tpu.memory_space<any>>) dst(%dma_wait3A_564 : memref<192x128xf32, #tpu.memory_space<vmem>>)
    %get3A_568 = arith.constant 0 : index
    %get3A_569 = arith.constant 2304 : index
    %get3A_570 = vector.load %arg9[%get3A_568, %get3A_569] : memref<192x3840xf32, #tpu.memory_space<vmem>>, vector<192x128xf32>
    %get3A_571 = arith.constant 18 : index
    %get3A_572 = memref.load %arg8[%get3A_571] : memref<32xi32, #tpu.memory_space<smem>>
    %and3A_573 = arith.constant 127 : i32
    %and3A_574 = arith.andi %get3A_572, %and3A_573 : i32
    %eq3A_575 = vector.broadcast %and3A_574 : i32 to vector<1x128xi32>
    %eq3A_576 = arith.cmpi eq, %iota3A_96, %eq3A_575 : vector<1x128xi32>
    %jit3A_577 = arith.constant 0.000000e+00 : f32
    %broadcast_in_dim3A_578 = vector.shape_cast %eq3A_576 : vector<1x128xi1> to vector<1x128xi1>
    %broadcast_in_dim3A_579 = vector.broadcast %broadcast_in_dim3A_578 : vector<1x128xi1> to vector<192x128xi1>
    %broadcast_in_dim3A_580 = vector.broadcast %jit3A_577 : f32 to vector<192x128xf32>
    %select_n3A_581 = arith.select %broadcast_in_dim3A_579, %get3A_570, %broadcast_in_dim3A_580 : vector<192x128xi1>, vector<192x128xf32>
    %reduce_sum3A_582 = arith.constant dense<0.000000e+00> : vector<192xf32>
    %reduce_sum3A_583 = vector.multi_reduction <add>, %select_n3A_581, %reduce_sum3A_582 [1] : vector<192x128xf32> to vector<192xf32>
    %broadcast_in_dim3A_584 = vector.shape_cast %reduce_sum3A_583 : vector<192xf32> to vector<192x1xf32>
    %swap3A_585 = arith.constant 0 : index
    %swap3A_586 = arith.constant 18 : index
    %swap3A_587 = vector.load %arg10[%swap3A_585, %swap3A_586] : memref<192x32xf32, #tpu.memory_space<vmem>>, vector<192x1xf32>
    tpu.vector_store %arg10[%swap3A_585, %swap3A_586], %broadcast_in_dim3A_584 {strides = array<i32>} : memref<192x32xf32, #tpu.memory_space<vmem>>, vector<192x1xf32>,
    %dma_wait3A_588 = arith.constant 0 : i32
    %dma_wait3A_589 = arith.constant 2432 : i32
    %dma_wait3A_590 = tpu.memref_slice %arg9[%dma_wait3A_588, %dma_wait3A_589] : memref<192x3840xf32, #tpu.memory_space<vmem>> -> memref<192x128xf32, #tpu.memory_space<vmem>>
    %dma_wait3A_591 = arith.constant 0 : i32
    %dma_wait3A_592 = arith.constant 0 : i32
    %dma_wait3A_593 = tpu.memref_slice %arg1[%dma_wait3A_591, %dma_wait3A_592] : memref<192x147456xf32, #tpu.memory_space<any>> -> memref<192x128xf32, #tpu.memory_space<any>>
    tpu.wait_dma2 semaphore(%arg11 : memref<!tpu.dma_semaphore, #tpu.memory_space<semaphore_mem>>) src(%dma_wait3A_593 : memref<192x128xf32, #tpu.memory_space<any>>) dst(%dma_wait3A_590 : memref<192x128xf32, #tpu.memory_space<vmem>>)
    %get3A_594 = arith.constant 0 : index
    %get3A_595 = arith.constant 2432 : index
    %get3A_596 = vector.load %arg9[%get3A_594, %get3A_595] : memref<192x3840xf32, #tpu.memory_space<vmem>>, vector<192x128xf32>
    %get3A_597 = arith.constant 19 : index
    %get3A_598 = memref.load %arg8[%get3A_597] : memref<32xi32, #tpu.memory_space<smem>>
    %and3A_599 = arith.constant 127 : i32
    %and3A_600 = arith.andi %get3A_598, %and3A_599 : i32
    %eq3A_601 = vector.broadcast %and3A_600 : i32 to vector<1x128xi32>
    %eq3A_602 = arith.cmpi eq, %iota3A_96, %eq3A_601 : vector<1x128xi32>
    %jit3A_603 = arith.constant 0.000000e+00 : f32
    %broadcast_in_dim3A_604 = vector.shape_cast %eq3A_602 : vector<1x128xi1> to vector<1x128xi1>
    %broadcast_in_dim3A_605 = vector.broadcast %broadcast_in_dim3A_604 : vector<1x128xi1> to vector<192x128xi1>
    %broadcast_in_dim3A_606 = vector.broadcast %jit3A_603 : f32 to vector<192x128xf32>
    %select_n3A_607 = arith.select %broadcast_in_dim3A_605, %get3A_596, %broadcast_in_dim3A_606 : vector<192x128xi1>, vector<192x128xf32>
    %reduce_sum3A_608 = arith.constant dense<0.000000e+00> : vector<192xf32>
    %reduce_sum3A_609 = vector.multi_reduction <add>, %select_n3A_607, %reduce_sum3A_608 [1] : vector<192x128xf32> to vector<192xf32>
    %broadcast_in_dim3A_610 = vector.shape_cast %reduce_sum3A_609 : vector<192xf32> to vector<192x1xf32>
    %swap3A_611 = arith.constant 0 : index
    %swap3A_612 = arith.constant 19 : index
    %swap3A_613 = vector.load %arg10[%swap3A_611, %swap3A_612] : memref<192x32xf32, #tpu.memory_space<vmem>>, vector<192x1xf32>
    tpu.vector_store %arg10[%swap3A_611, %swap3A_612], %broadcast_in_dim3A_610 {strides = array<i32>} : memref<192x32xf32, #tpu.memory_space<vmem>>, vector<192x1xf32>,
    %dma_wait3A_614 = arith.constant 0 : i32
    %dma_wait3A_615 = arith.constant 2560 : i32
    %dma_wait3A_616 = tpu.memref_slice %arg9[%dma_wait3A_614, %dma_wait3A_615] : memref<192x3840xf32, #tpu.memory_space<vmem>> -> memref<192x128xf32, #tpu.memory_space<vmem>>
    %dma_wait3A_617 = arith.constant 0 : i32
    %dma_wait3A_618 = arith.constant 0 : i32
    %dma_wait3A_619 = tpu.memref_slice %arg1[%dma_wait3A_617, %dma_wait3A_618] : memref<192x147456xf32, #tpu.memory_space<any>> -> memref<192x128xf32, #tpu.memory_space<any>>
    tpu.wait_dma2 semaphore(%arg11 : memref<!tpu.dma_semaphore, #tpu.memory_space<semaphore_mem>>) src(%dma_wait3A_619 : memref<192x128xf32, #tpu.memory_space<any>>) dst(%dma_wait3A_616 : memref<192x128xf32, #tpu.memory_space<vmem>>)
    %get3A_620 = arith.constant 0 : index
    %get3A_621 = arith.constant 2560 : index
    %get3A_622 = vector.load %arg9[%get3A_620, %get3A_621] : memref<192x3840xf32, #tpu.memory_space<vmem>>, vector<192x128xf32>
    %get3A_623 = arith.constant 20 : index
    %get3A_624 = memref.load %arg8[%get3A_623] : memref<32xi32, #tpu.memory_space<smem>>
    %and3A_625 = arith.constant 127 : i32
    %and3A_626 = arith.andi %get3A_624, %and3A_625 : i32
    %eq3A_627 = vector.broadcast %and3A_626 : i32 to vector<1x128xi32>
    %eq3A_628 = arith.cmpi eq, %iota3A_96, %eq3A_627 : vector<1x128xi32>
    %jit3A_629 = arith.constant 0.000000e+00 : f32
    %broadcast_in_dim3A_630 = vector.shape_cast %eq3A_628 : vector<1x128xi1> to vector<1x128xi1>
    %broadcast_in_dim3A_631 = vector.broadcast %broadcast_in_dim3A_630 : vector<1x128xi1> to vector<192x128xi1>
    %broadcast_in_dim3A_632 = vector.broadcast %jit3A_629 : f32 to vector<192x128xf32>
    %select_n3A_633 = arith.select %broadcast_in_dim3A_631, %get3A_622, %broadcast_in_dim3A_632 : vector<192x128xi1>, vector<192x128xf32>
    %reduce_sum3A_634 = arith.constant dense<0.000000e+00> : vector<192xf32>
    %reduce_sum3A_635 = vector.multi_reduction <add>, %select_n3A_633, %reduce_sum3A_634 [1] : vector<192x128xf32> to vector<192xf32>
    %broadcast_in_dim3A_636 = vector.shape_cast %reduce_sum3A_635 : vector<192xf32> to vector<192x1xf32>
    %swap3A_637 = arith.constant 0 : index
    %swap3A_638 = arith.constant 20 : index
    %swap3A_639 = vector.load %arg10[%swap3A_637, %swap3A_638] : memref<192x32xf32, #tpu.memory_space<vmem>>, vector<192x1xf32>
    tpu.vector_store %arg10[%swap3A_637, %swap3A_638], %broadcast_in_dim3A_636 {strides = array<i32>} : memref<192x32xf32, #tpu.memory_space<vmem>>, vector<192x1xf32>,
    %dma_wait3A_640 = arith.constant 0 : i32
    %dma_wait3A_641 = arith.constant 2688 : i32
    %dma_wait3A_642 = tpu.memref_slice %arg9[%dma_wait3A_640, %dma_wait3A_641] : memref<192x3840xf32, #tpu.memory_space<vmem>> -> memref<192x128xf32, #tpu.memory_space<vmem>>
    %dma_wait3A_643 = arith.constant 0 : i32
    %dma_wait3A_644 = arith.constant 0 : i32
    %dma_wait3A_645 = tpu.memref_slice %arg1[%dma_wait3A_643, %dma_wait3A_644] : memref<192x147456xf32, #tpu.memory_space<any>> -> memref<192x128xf32, #tpu.memory_space<any>>
    tpu.wait_dma2 semaphore(%arg11 : memref<!tpu.dma_semaphore, #tpu.memory_space<semaphore_mem>>) src(%dma_wait3A_645 : memref<192x128xf32, #tpu.memory_space<any>>) dst(%dma_wait3A_642 : memref<192x128xf32, #tpu.memory_space<vmem>>)
    %get3A_646 = arith.constant 0 : index
    %get3A_647 = arith.constant 2688 : index
    %get3A_648 = vector.load %arg9[%get3A_646, %get3A_647] : memref<192x3840xf32, #tpu.memory_space<vmem>>, vector<192x128xf32>
    %get3A_649 = arith.constant 21 : index
    %get3A_650 = memref.load %arg8[%get3A_649] : memref<32xi32, #tpu.memory_space<smem>>
    %and3A_651 = arith.constant 127 : i32
    %and3A_652 = arith.andi %get3A_650, %and3A_651 : i32
    %eq3A_653 = vector.broadcast %and3A_652 : i32 to vector<1x128xi32>
    %eq3A_654 = arith.cmpi eq, %iota3A_96, %eq3A_653 : vector<1x128xi32>
    %jit3A_655 = arith.constant 0.000000e+00 : f32
    %broadcast_in_dim3A_656 = vector.shape_cast %eq3A_654 : vector<1x128xi1> to vector<1x128xi1>
    %broadcast_in_dim3A_657 = vector.broadcast %broadcast_in_dim3A_656 : vector<1x128xi1> to vector<192x128xi1>
    %broadcast_in_dim3A_658 = vector.broadcast %jit3A_655 : f32 to vector<192x128xf32>
    %select_n3A_659 = arith.select %broadcast_in_dim3A_657, %get3A_648, %broadcast_in_dim3A_658 : vector<192x128xi1>, vector<192x128xf32>
    %reduce_sum3A_660 = arith.constant dense<0.000000e+00> : vector<192xf32>
    %reduce_sum3A_661 = vector.multi_reduction <add>, %select_n3A_659, %reduce_sum3A_660 [1] : vector<192x128xf32> to vector<192xf32>
    %broadcast_in_dim3A_662 = vector.shape_cast %reduce_sum3A_661 : vector<192xf32> to vector<192x1xf32>
    %swap3A_663 = arith.constant 0 : index
    %swap3A_664 = arith.constant 21 : index
    %swap3A_665 = vector.load %arg10[%swap3A_663, %swap3A_664] : memref<192x32xf32, #tpu.memory_space<vmem>>, vector<192x1xf32>
    tpu.vector_store %arg10[%swap3A_663, %swap3A_664], %broadcast_in_dim3A_662 {strides = array<i32>} : memref<192x32xf32, #tpu.memory_space<vmem>>, vector<192x1xf32>,
    %dma_wait3A_666 = arith.constant 0 : i32
    %dma_wait3A_667 = arith.constant 2816 : i32
    %dma_wait3A_668 = tpu.memref_slice %arg9[%dma_wait3A_666, %dma_wait3A_667] : memref<192x3840xf32, #tpu.memory_space<vmem>> -> memref<192x128xf32, #tpu.memory_space<vmem>>
    %dma_wait3A_669 = arith.constant 0 : i32
    %dma_wait3A_670 = arith.constant 0 : i32
    %dma_wait3A_671 = tpu.memref_slice %arg1[%dma_wait3A_669, %dma_wait3A_670] : memref<192x147456xf32, #tpu.memory_space<any>> -> memref<192x128xf32, #tpu.memory_space<any>>
    tpu.wait_dma2 semaphore(%arg11 : memref<!tpu.dma_semaphore, #tpu.memory_space<semaphore_mem>>) src(%dma_wait3A_671 : memref<192x128xf32, #tpu.memory_space<any>>) dst(%dma_wait3A_668 : memref<192x128xf32, #tpu.memory_space<vmem>>)
    %get3A_672 = arith.constant 0 : index
    %get3A_673 = arith.constant 2816 : index
    %get3A_674 = vector.load %arg9[%get3A_672, %get3A_673] : memref<192x3840xf32, #tpu.memory_space<vmem>>, vector<192x128xf32>
    %get3A_675 = arith.constant 22 : index
    %get3A_676 = memref.load %arg8[%get3A_675] : memref<32xi32, #tpu.memory_space<smem>>
    %and3A_677 = arith.constant 127 : i32
    %and3A_678 = arith.andi %get3A_676, %and3A_677 : i32
    %eq3A_679 = vector.broadcast %and3A_678 : i32 to vector<1x128xi32>
    %eq3A_680 = arith.cmpi eq, %iota3A_96, %eq3A_679 : vector<1x128xi32>
    %jit3A_681 = arith.constant 0.000000e+00 : f32
    %broadcast_in_dim3A_682 = vector.shape_cast %eq3A_680 : vector<1x128xi1> to vector<1x128xi1>
    %broadcast_in_dim3A_683 = vector.broadcast %broadcast_in_dim3A_682 : vector<1x128xi1> to vector<192x128xi1>
    %broadcast_in_dim3A_684 = vector.broadcast %jit3A_681 : f32 to vector<192x128xf32>
    %select_n3A_685 = arith.select %broadcast_in_dim3A_683, %get3A_674, %broadcast_in_dim3A_684 : vector<192x128xi1>, vector<192x128xf32>
    %reduce_sum3A_686 = arith.constant dense<0.000000e+00> : vector<192xf32>
    %reduce_sum3A_687 = vector.multi_reduction <add>, %select_n3A_685, %reduce_sum3A_686 [1] : vector<192x128xf32> to vector<192xf32>
    %broadcast_in_dim3A_688 = vector.shape_cast %reduce_sum3A_687 : vector<192xf32> to vector<192x1xf32>
    %swap3A_689 = arith.constant 0 : index
    %swap3A_690 = arith.constant 22 : index
    %swap3A_691 = vector.load %arg10[%swap3A_689, %swap3A_690] : memref<192x32xf32, #tpu.memory_space<vmem>>, vector<192x1xf32>
    tpu.vector_store %arg10[%swap3A_689, %swap3A_690], %broadcast_in_dim3A_688 {strides = array<i32>} : memref<192x32xf32, #tpu.memory_space<vmem>>, vector<192x1xf32>,
    %dma_wait3A_692 = arith.constant 0 : i32
    %dma_wait3A_693 = arith.constant 2944 : i32
    %dma_wait3A_694 = tpu.memref_slice %arg9[%dma_wait3A_692, %dma_wait3A_693] : memref<192x3840xf32, #tpu.memory_space<vmem>> -> memref<192x128xf32, #tpu.memory_space<vmem>>
    %dma_wait3A_695 = arith.constant 0 : i32
    %dma_wait3A_696 = arith.constant 0 : i32
    %dma_wait3A_697 = tpu.memref_slice %arg1[%dma_wait3A_695, %dma_wait3A_696] : memref<192x147456xf32, #tpu.memory_space<any>> -> memref<192x128xf32, #tpu.memory_space<any>>
    tpu.wait_dma2 semaphore(%arg11 : memref<!tpu.dma_semaphore, #tpu.memory_space<semaphore_mem>>) src(%dma_wait3A_697 : memref<192x128xf32, #tpu.memory_space<any>>) dst(%dma_wait3A_694 : memref<192x128xf32, #tpu.memory_space<vmem>>)
    %get3A_698 = arith.constant 0 : index
    %get3A_699 = arith.constant 2944 : index
    %get3A_700 = vector.load %arg9[%get3A_698, %get3A_699] : memref<192x3840xf32, #tpu.memory_space<vmem>>, vector<192x128xf32>
    %get3A_701 = arith.constant 23 : index
    %get3A_702 = memref.load %arg8[%get3A_701] : memref<32xi32, #tpu.memory_space<smem>>
    %and3A_703 = arith.constant 127 : i32
    %and3A_704 = arith.andi %get3A_702, %and3A_703 : i32
    %eq3A_705 = vector.broadcast %and3A_704 : i32 to vector<1x128xi32>
    %eq3A_706 = arith.cmpi eq, %iota3A_96, %eq3A_705 : vector<1x128xi32>
    %jit3A_707 = arith.constant 0.000000e+00 : f32
    %broadcast_in_dim3A_708 = vector.shape_cast %eq3A_706 : vector<1x128xi1> to vector<1x128xi1>
    %broadcast_in_dim3A_709 = vector.broadcast %broadcast_in_dim3A_708 : vector<1x128xi1> to vector<192x128xi1>
    %broadcast_in_dim3A_710 = vector.broadcast %jit3A_707 : f32 to vector<192x128xf32>
    %select_n3A_711 = arith.select %broadcast_in_dim3A_709, %get3A_700, %broadcast_in_dim3A_710 : vector<192x128xi1>, vector<192x128xf32>
    %reduce_sum3A_712 = arith.constant dense<0.000000e+00> : vector<192xf32>
    %reduce_sum3A_713 = vector.multi_reduction <add>, %select_n3A_711, %reduce_sum3A_712 [1] : vector<192x128xf32> to vector<192xf32>
    %broadcast_in_dim3A_714 = vector.shape_cast %reduce_sum3A_713 : vector<192xf32> to vector<192x1xf32>
    %swap3A_715 = arith.constant 0 : index
    %swap3A_716 = arith.constant 23 : index
    %swap3A_717 = vector.load %arg10[%swap3A_715, %swap3A_716] : memref<192x32xf32, #tpu.memory_space<vmem>>, vector<192x1xf32>
    tpu.vector_store %arg10[%swap3A_715, %swap3A_716], %broadcast_in_dim3A_714 {strides = array<i32>} : memref<192x32xf32, #tpu.memory_space<vmem>>, vector<192x1xf32>,
    %dma_wait3A_718 = arith.constant 0 : i32
    %dma_wait3A_719 = arith.constant 3072 : i32
    %dma_wait3A_720 = tpu.memref_slice %arg9[%dma_wait3A_718, %dma_wait3A_719] : memref<192x3840xf32, #tpu.memory_space<vmem>> -> memref<192x128xf32, #tpu.memory_space<vmem>>
    %dma_wait3A_721 = arith.constant 0 : i32
    %dma_wait3A_722 = arith.constant 0 : i32
    %dma_wait3A_723 = tpu.memref_slice %arg1[%dma_wait3A_721, %dma_wait3A_722] : memref<192x147456xf32, #tpu.memory_space<any>> -> memref<192x128xf32, #tpu.memory_space<any>>
    tpu.wait_dma2 semaphore(%arg11 : memref<!tpu.dma_semaphore, #tpu.memory_space<semaphore_mem>>) src(%dma_wait3A_723 : memref<192x128xf32, #tpu.memory_space<any>>) dst(%dma_wait3A_720 : memref<192x128xf32, #tpu.memory_space<vmem>>)
    %get3A_724 = arith.constant 0 : index
    %get3A_725 = arith.constant 3072 : index
    %get3A_726 = vector.load %arg9[%get3A_724, %get3A_725] : memref<192x3840xf32, #tpu.memory_space<vmem>>, vector<192x128xf32>
    %get3A_727 = arith.constant 24 : index
    %get3A_728 = memref.load %arg8[%get3A_727] : memref<32xi32, #tpu.memory_space<smem>>
    %and3A_729 = arith.constant 127 : i32
    %and3A_730 = arith.andi %get3A_728, %and3A_729 : i32
    %eq3A_731 = vector.broadcast %and3A_730 : i32 to vector<1x128xi32>
    %eq3A_732 = arith.cmpi eq, %iota3A_96, %eq3A_731 : vector<1x128xi32>
    %jit3A_733 = arith.constant 0.000000e+00 : f32
    %broadcast_in_dim3A_734 = vector.shape_cast %eq3A_732 : vector<1x128xi1> to vector<1x128xi1>
    %broadcast_in_dim3A_735 = vector.broadcast %broadcast_in_dim3A_734 : vector<1x128xi1> to vector<192x128xi1>
    %broadcast_in_dim3A_736 = vector.broadcast %jit3A_733 : f32 to vector<192x128xf32>
    %select_n3A_737 = arith.select %broadcast_in_dim3A_735, %get3A_726, %broadcast_in_dim3A_736 : vector<192x128xi1>, vector<192x128xf32>
    %reduce_sum3A_738 = arith.constant dense<0.000000e+00> : vector<192xf32>
    %reduce_sum3A_739 = vector.multi_reduction <add>, %select_n3A_737, %reduce_sum3A_738 [1] : vector<192x128xf32> to vector<192xf32>
    %broadcast_in_dim3A_740 = vector.shape_cast %reduce_sum3A_739 : vector<192xf32> to vector<192x1xf32>
    %swap3A_741 = arith.constant 0 : index
    %swap3A_742 = arith.constant 24 : index
    %swap3A_743 = vector.load %arg10[%swap3A_741, %swap3A_742] : memref<192x32xf32, #tpu.memory_space<vmem>>, vector<192x1xf32>
    tpu.vector_store %arg10[%swap3A_741, %swap3A_742], %broadcast_in_dim3A_740 {strides = array<i32>} : memref<192x32xf32, #tpu.memory_space<vmem>>, vector<192x1xf32>,
    %dma_wait3A_744 = arith.constant 0 : i32
    %dma_wait3A_745 = arith.constant 3200 : i32
    %dma_wait3A_746 = tpu.memref_slice %arg9[%dma_wait3A_744, %dma_wait3A_745] : memref<192x3840xf32, #tpu.memory_space<vmem>> -> memref<192x128xf32, #tpu.memory_space<vmem>>
    %dma_wait3A_747 = arith.constant 0 : i32
    %dma_wait3A_748 = arith.constant 0 : i32
    %dma_wait3A_749 = tpu.memref_slice %arg1[%dma_wait3A_747, %dma_wait3A_748] : memref<192x147456xf32, #tpu.memory_space<any>> -> memref<192x128xf32, #tpu.memory_space<any>>
    tpu.wait_dma2 semaphore(%arg11 : memref<!tpu.dma_semaphore, #tpu.memory_space<semaphore_mem>>) src(%dma_wait3A_749 : memref<192x128xf32, #tpu.memory_space<any>>) dst(%dma_wait3A_746 : memref<192x128xf32, #tpu.memory_space<vmem>>)
    %get3A_750 = arith.constant 0 : index
    %get3A_751 = arith.constant 3200 : index
    %get3A_752 = vector.load %arg9[%get3A_750, %get3A_751] : memref<192x3840xf32, #tpu.memory_space<vmem>>, vector<192x128xf32>
    %get3A_753 = arith.constant 25 : index
    %get3A_754 = memref.load %arg8[%get3A_753] : memref<32xi32, #tpu.memory_space<smem>>
    %and3A_755 = arith.constant 127 : i32
    %and3A_756 = arith.andi %get3A_754, %and3A_755 : i32
    %eq3A_757 = vector.broadcast %and3A_756 : i32 to vector<1x128xi32>
    %eq3A_758 = arith.cmpi eq, %iota3A_96, %eq3A_757 : vector<1x128xi32>
    %jit3A_759 = arith.constant 0.000000e+00 : f32
    %broadcast_in_dim3A_760 = vector.shape_cast %eq3A_758 : vector<1x128xi1> to vector<1x128xi1>
    %broadcast_in_dim3A_761 = vector.broadcast %broadcast_in_dim3A_760 : vector<1x128xi1> to vector<192x128xi1>
    %broadcast_in_dim3A_762 = vector.broadcast %jit3A_759 : f32 to vector<192x128xf32>
    %select_n3A_763 = arith.select %broadcast_in_dim3A_761, %get3A_752, %broadcast_in_dim3A_762 : vector<192x128xi1>, vector<192x128xf32>
    %reduce_sum3A_764 = arith.constant dense<0.000000e+00> : vector<192xf32>
    %reduce_sum3A_765 = vector.multi_reduction <add>, %select_n3A_763, %reduce_sum3A_764 [1] : vector<192x128xf32> to vector<192xf32>
    %broadcast_in_dim3A_766 = vector.shape_cast %reduce_sum3A_765 : vector<192xf32> to vector<192x1xf32>
    %swap3A_767 = arith.constant 0 : index
    %swap3A_768 = arith.constant 25 : index
    %swap3A_769 = vector.load %arg10[%swap3A_767, %swap3A_768] : memref<192x32xf32, #tpu.memory_space<vmem>>, vector<192x1xf32>
    tpu.vector_store %arg10[%swap3A_767, %swap3A_768], %broadcast_in_dim3A_766 {strides = array<i32>} : memref<192x32xf32, #tpu.memory_space<vmem>>, vector<192x1xf32>,
    %dma_wait3A_770 = arith.constant 0 : i32
    %dma_wait3A_771 = arith.constant 3328 : i32
    %dma_wait3A_772 = tpu.memref_slice %arg9[%dma_wait3A_770, %dma_wait3A_771] : memref<192x3840xf32, #tpu.memory_space<vmem>> -> memref<192x128xf32, #tpu.memory_space<vmem>>
    %dma_wait3A_773 = arith.constant 0 : i32
    %dma_wait3A_774 = arith.constant 0 : i32
    %dma_wait3A_775 = tpu.memref_slice %arg1[%dma_wait3A_773, %dma_wait3A_774] : memref<192x147456xf32, #tpu.memory_space<any>> -> memref<192x128xf32, #tpu.memory_space<any>>
    tpu.wait_dma2 semaphore(%arg11 : memref<!tpu.dma_semaphore, #tpu.memory_space<semaphore_mem>>) src(%dma_wait3A_775 : memref<192x128xf32, #tpu.memory_space<any>>) dst(%dma_wait3A_772 : memref<192x128xf32, #tpu.memory_space<vmem>>)
    %get3A_776 = arith.constant 0 : index
    %get3A_777 = arith.constant 3328 : index
    %get3A_778 = vector.load %arg9[%get3A_776, %get3A_777] : memref<192x3840xf32, #tpu.memory_space<vmem>>, vector<192x128xf32>
    %get3A_779 = arith.constant 26 : index
    %get3A_780 = memref.load %arg8[%get3A_779] : memref<32xi32, #tpu.memory_space<smem>>
    %and3A_781 = arith.constant 127 : i32
    %and3A_782 = arith.andi %get3A_780, %and3A_781 : i32
    %eq3A_783 = vector.broadcast %and3A_782 : i32 to vector<1x128xi32>
    %eq3A_784 = arith.cmpi eq, %iota3A_96, %eq3A_783 : vector<1x128xi32>
    %jit3A_785 = arith.constant 0.000000e+00 : f32
    %broadcast_in_dim3A_786 = vector.shape_cast %eq3A_784 : vector<1x128xi1> to vector<1x128xi1>
    %broadcast_in_dim3A_787 = vector.broadcast %broadcast_in_dim3A_786 : vector<1x128xi1> to vector<192x128xi1>
    %broadcast_in_dim3A_788 = vector.broadcast %jit3A_785 : f32 to vector<192x128xf32>
    %select_n3A_789 = arith.select %broadcast_in_dim3A_787, %get3A_778, %broadcast_in_dim3A_788 : vector<192x128xi1>, vector<192x128xf32>
    %reduce_sum3A_790 = arith.constant dense<0.000000e+00> : vector<192xf32>
    %reduce_sum3A_791 = vector.multi_reduction <add>, %select_n3A_789, %reduce_sum3A_790 [1] : vector<192x128xf32> to vector<192xf32>
    %broadcast_in_dim3A_792 = vector.shape_cast %reduce_sum3A_791 : vector<192xf32> to vector<192x1xf32>
    %swap3A_793 = arith.constant 0 : index
    %swap3A_794 = arith.constant 26 : index
    %swap3A_795 = vector.load %arg10[%swap3A_793, %swap3A_794] : memref<192x32xf32, #tpu.memory_space<vmem>>, vector<192x1xf32>
    tpu.vector_store %arg10[%swap3A_793, %swap3A_794], %broadcast_in_dim3A_792 {strides = array<i32>} : memref<192x32xf32, #tpu.memory_space<vmem>>, vector<192x1xf32>,
    %dma_wait3A_796 = arith.constant 0 : i32
    %dma_wait3A_797 = arith.constant 3456 : i32
    %dma_wait3A_798 = tpu.memref_slice %arg9[%dma_wait3A_796, %dma_wait3A_797] : memref<192x3840xf32, #tpu.memory_space<vmem>> -> memref<192x128xf32, #tpu.memory_space<vmem>>
    %dma_wait3A_799 = arith.constant 0 : i32
    %dma_wait3A_800 = arith.constant 0 : i32
    %dma_wait3A_801 = tpu.memref_slice %arg1[%dma_wait3A_799, %dma_wait3A_800] : memref<192x147456xf32, #tpu.memory_space<any>> -> memref<192x128xf32, #tpu.memory_space<any>>
    tpu.wait_dma2 semaphore(%arg11 : memref<!tpu.dma_semaphore, #tpu.memory_space<semaphore_mem>>) src(%dma_wait3A_801 : memref<192x128xf32, #tpu.memory_space<any>>) dst(%dma_wait3A_798 : memref<192x128xf32, #tpu.memory_space<vmem>>)
    %get3A_802 = arith.constant 0 : index
    %get3A_803 = arith.constant 3456 : index
    %get3A_804 = vector.load %arg9[%get3A_802, %get3A_803] : memref<192x3840xf32, #tpu.memory_space<vmem>>, vector<192x128xf32>
    %get3A_805 = arith.constant 27 : index
    %get3A_806 = memref.load %arg8[%get3A_805] : memref<32xi32, #tpu.memory_space<smem>>
    %and3A_807 = arith.constant 127 : i32
    %and3A_808 = arith.andi %get3A_806, %and3A_807 : i32
    %eq3A_809 = vector.broadcast %and3A_808 : i32 to vector<1x128xi32>
    %eq3A_810 = arith.cmpi eq, %iota3A_96, %eq3A_809 : vector<1x128xi32>
    %jit3A_811 = arith.constant 0.000000e+00 : f32
    %broadcast_in_dim3A_812 = vector.shape_cast %eq3A_810 : vector<1x128xi1> to vector<1x128xi1>
    %broadcast_in_dim3A_813 = vector.broadcast %broadcast_in_dim3A_812 : vector<1x128xi1> to vector<192x128xi1>
    %broadcast_in_dim3A_814 = vector.broadcast %jit3A_811 : f32 to vector<192x128xf32>
    %select_n3A_815 = arith.select %broadcast_in_dim3A_813, %get3A_804, %broadcast_in_dim3A_814 : vector<192x128xi1>, vector<192x128xf32>
    %reduce_sum3A_816 = arith.constant dense<0.000000e+00> : vector<192xf32>
    %reduce_sum3A_817 = vector.multi_reduction <add>, %select_n3A_815, %reduce_sum3A_816 [1] : vector<192x128xf32> to vector<192xf32>
    %broadcast_in_dim3A_818 = vector.shape_cast %reduce_sum3A_817 : vector<192xf32> to vector<192x1xf32>
    %swap3A_819 = arith.constant 0 : index
    %swap3A_820 = arith.constant 27 : index
    %swap3A_821 = vector.load %arg10[%swap3A_819, %swap3A_820] : memref<192x32xf32, #tpu.memory_space<vmem>>, vector<192x1xf32>
    tpu.vector_store %arg10[%swap3A_819, %swap3A_820], %broadcast_in_dim3A_818 {strides = array<i32>} : memref<192x32xf32, #tpu.memory_space<vmem>>, vector<192x1xf32>,
    %dma_wait3A_822 = arith.constant 0 : i32
    %dma_wait3A_823 = arith.constant 3584 : i32
    %dma_wait3A_824 = tpu.memref_slice %arg9[%dma_wait3A_822, %dma_wait3A_823] : memref<192x3840xf32, #tpu.memory_space<vmem>> -> memref<192x128xf32, #tpu.memory_space<vmem>>
    %dma_wait3A_825 = arith.constant 0 : i32
    %dma_wait3A_826 = arith.constant 0 : i32
    %dma_wait3A_827 = tpu.memref_slice %arg1[%dma_wait3A_825, %dma_wait3A_826] : memref<192x147456xf32, #tpu.memory_space<any>> -> memref<192x128xf32, #tpu.memory_space<any>>
    tpu.wait_dma2 semaphore(%arg11 : memref<!tpu.dma_semaphore, #tpu.memory_space<semaphore_mem>>) src(%dma_wait3A_827 : memref<192x128xf32, #tpu.memory_space<any>>) dst(%dma_wait3A_824 : memref<192x128xf32, #tpu.memory_space<vmem>>)
    %get3A_828 = arith.constant 0 : index
    %get3A_829 = arith.constant 3584 : index
    %get3A_830 = vector.load %arg9[%get3A_828, %get3A_829] : memref<192x3840xf32, #tpu.memory_space<vmem>>, vector<192x128xf32>
    %get3A_831 = arith.constant 28 : index
    %get3A_832 = memref.load %arg8[%get3A_831] : memref<32xi32, #tpu.memory_space<smem>>
    %and3A_833 = arith.constant 127 : i32
    %and3A_834 = arith.andi %get3A_832, %and3A_833 : i32
    %eq3A_835 = vector.broadcast %and3A_834 : i32 to vector<1x128xi32>
    %eq3A_836 = arith.cmpi eq, %iota3A_96, %eq3A_835 : vector<1x128xi32>
    %jit3A_837 = arith.constant 0.000000e+00 : f32
    %broadcast_in_dim3A_838 = vector.shape_cast %eq3A_836 : vector<1x128xi1> to vector<1x128xi1>
    %broadcast_in_dim3A_839 = vector.broadcast %broadcast_in_dim3A_838 : vector<1x128xi1> to vector<192x128xi1>
    %broadcast_in_dim3A_840 = vector.broadcast %jit3A_837 : f32 to vector<192x128xf32>
    %select_n3A_841 = arith.select %broadcast_in_dim3A_839, %get3A_830, %broadcast_in_dim3A_840 : vector<192x128xi1>, vector<192x128xf32>
    %reduce_sum3A_842 = arith.constant dense<0.000000e+00> : vector<192xf32>
    %reduce_sum3A_843 = vector.multi_reduction <add>, %select_n3A_841, %reduce_sum3A_842 [1] : vector<192x128xf32> to vector<192xf32>
    %broadcast_in_dim3A_844 = vector.shape_cast %reduce_sum3A_843 : vector<192xf32> to vector<192x1xf32>
    %swap3A_845 = arith.constant 0 : index
    %swap3A_846 = arith.constant 28 : index
    %swap3A_847 = vector.load %arg10[%swap3A_845, %swap3A_846] : memref<192x32xf32, #tpu.memory_space<vmem>>, vector<192x1xf32>
    tpu.vector_store %arg10[%swap3A_845, %swap3A_846], %broadcast_in_dim3A_844 {strides = array<i32>} : memref<192x32xf32, #tpu.memory_space<vmem>>, vector<192x1xf32>,
    %dma_wait3A_848 = arith.constant 0 : i32
    %dma_wait3A_849 = arith.constant 3712 : i32
    %dma_wait3A_850 = tpu.memref_slice %arg9[%dma_wait3A_848, %dma_wait3A_849] : memref<192x3840xf32, #tpu.memory_space<vmem>> -> memref<192x128xf32, #tpu.memory_space<vmem>>
    %dma_wait3A_851 = arith.constant 0 : i32
    %dma_wait3A_852 = arith.constant 0 : i32
    %dma_wait3A_853 = tpu.memref_slice %arg1[%dma_wait3A_851, %dma_wait3A_852] : memref<192x147456xf32, #tpu.memory_space<any>> -> memref<192x128xf32, #tpu.memory_space<any>>
    tpu.wait_dma2 semaphore(%arg11 : memref<!tpu.dma_semaphore, #tpu.memory_space<semaphore_mem>>) src(%dma_wait3A_853 : memref<192x128xf32, #tpu.memory_space<any>>) dst(%dma_wait3A_850 : memref<192x128xf32, #tpu.memory_space<vmem>>)
    %get3A_854 = arith.constant 0 : index
    %get3A_855 = arith.constant 3712 : index
    %get3A_856 = vector.load %arg9[%get3A_854, %get3A_855] : memref<192x3840xf32, #tpu.memory_space<vmem>>, vector<192x128xf32>
    %get3A_857 = arith.constant 29 : index
    %get3A_858 = memref.load %arg8[%get3A_857] : memref<32xi32, #tpu.memory_space<smem>>
    %and3A_859 = arith.constant 127 : i32
    %and3A_860 = arith.andi %get3A_858, %and3A_859 : i32
    %eq3A_861 = vector.broadcast %and3A_860 : i32 to vector<1x128xi32>
    %eq3A_862 = arith.cmpi eq, %iota3A_96, %eq3A_861 : vector<1x128xi32>
    %jit3A_863 = arith.constant 0.000000e+00 : f32
    %broadcast_in_dim3A_864 = vector.shape_cast %eq3A_862 : vector<1x128xi1> to vector<1x128xi1>
    %broadcast_in_dim3A_865 = vector.broadcast %broadcast_in_dim3A_864 : vector<1x128xi1> to vector<192x128xi1>
    %broadcast_in_dim3A_866 = vector.broadcast %jit3A_863 : f32 to vector<192x128xf32>
    %select_n3A_867 = arith.select %broadcast_in_dim3A_865, %get3A_856, %broadcast_in_dim3A_866 : vector<192x128xi1>, vector<192x128xf32>
    %reduce_sum3A_868 = arith.constant dense<0.000000e+00> : vector<192xf32>
    %reduce_sum3A_869 = vector.multi_reduction <add>, %select_n3A_867, %reduce_sum3A_868 [1] : vector<192x128xf32> to vector<192xf32>
    %broadcast_in_dim3A_870 = vector.shape_cast %reduce_sum3A_869 : vector<192xf32> to vector<192x1xf32>
    %swap3A_871 = arith.constant 0 : index
    %swap3A_872 = arith.constant 29 : index
    %swap3A_873 = vector.load %arg10[%swap3A_871, %swap3A_872] : memref<192x32xf32, #tpu.memory_space<vmem>>, vector<192x1xf32>
    tpu.vector_store %arg10[%swap3A_871, %swap3A_872], %broadcast_in_dim3A_870 {strides = array<i32>} : memref<192x32xf32, #tpu.memory_space<vmem>>, vector<192x1xf32>,
    %iota3A_874 = tpu.iota {dimensions = array<i32: 0>} : vector<32x32xi32>
    %iota3A_875 = tpu.iota {dimensions = array<i32: 1>} : vector<32x32xi32>
    %eq3A_876 = arith.cmpi eq, %iota3A_874, %iota3A_875 : vector<32x32xi32>
    %jit3A_877 = arith.constant 1.000000e+00 : f32
    %jit3A_878 = arith.constant 0.000000e+00 : f32
    %broadcast_in_dim3A_879 = vector.broadcast %jit3A_877 : f32 to vector<32x32xf32>
    %broadcast_in_dim3A_880 = vector.broadcast %jit3A_878 : f32 to vector<32x32xf32>
    %select_n3A_881 = arith.select %eq3A_876, %broadcast_in_dim3A_879, %broadcast_in_dim3A_880 : vector<32x32xi1>, vector<32x32xf32>
    %get3A_882 = arith.constant 0 : index
    %get3A_883 = arith.constant 0 : index
    %get3A_884 = vector.load %arg10[%get3A_882, %get3A_883] : memref<192x32xf32, #tpu.memory_space<vmem>>, vector<192x32xf32>
    %dot_general3A = arith.constant dense<0.000000e+00> : vector<32x192xf32>
    %dot_general3A_885 = tpu.matmul %select_n3A_881, %get3A_884, %dot_general3A {dimension_numbers = #tpu.dot_dimension_numbers<[1], [1], [0], [0], [0, 0, 1, 0], [], []>, precision = #tpu.contract_precision<fp32>, transpose_lhs_hint = false} : vector<32x32xf32>, vector<192x32xf32>, vector<32x192xf32> -> vector<32x192xf32>
    %swap3A_886 = arith.constant 0 : index
    %swap3A_887 = arith.constant 0 : index
    %swap3A_888 = vector.load %arg5[%swap3A_886, %swap3A_887] : memref<32x192xf32, #tpu.memory_space<vmem>>, vector<32x192xf32>
    tpu.vector_store %arg5[%swap3A_886, %swap3A_887], %dot_general3A_885 {strides = array<i32>} : memref<32x192xf32, #tpu.memory_space<vmem>>, vector<32x192xf32>,
    return
  }
}

module attributes {stable_mosaic.version = 14 : i64} {
  func.func @_conv_body(%arg0: i32, %arg1: memref<1x192xf32, #tpu.memory_space<vmem>>, %arg2: memref<1x1xf32, #tpu.memory_space<smem>>, %arg3: memref<192x12288xf32, #tpu.memory_space<vmem>>, %arg4: memref<1x12288xf32, #tpu.memory_space<vmem>>) attributes {dimension_semantics = [#tpu.dimension_semantics<arbitrary>], iteration_bounds = array<i64: 12>, scalar_prefetch = 0 : i64, scratch_operands = 0 : i64, tpu.core_type = #tpu.core_type<tc>, window_params = [{pipeline_mode = #tpu.pipeline_mode<synchronous>, transform_indices = @transform_0, window_bounds = array<i64: 1, 192>}, {transform_indices = @transform_1, window_bounds = array<i64: 1, 1>}, {transform_indices = @transform_2, window_bounds = array<i64: 192, 12288>}, {transform_indices = @transform_3, window_bounds = array<i64: 1, 12288>}]} {
    %get3A = arith.constant 0 : index
    %get3A_0 = arith.constant 0 : index
    %get3A_1 = vector.load %arg1[%get3A, %get3A_0] : memref<1x192xf32, #tpu.memory_space<vmem>>, vector<1x192xf32>
    %get3A_2 = arith.constant 0 : index
    %get3A_3 = arith.constant 0 : index
    %get3A_4 = vector.load %arg3[%get3A_2, %get3A_3] : memref<192x12288xf32, #tpu.memory_space<vmem>>, vector<192x12288xf32>
    %dot_general3A = arith.constant dense<0.000000e+00> : vector<1x12288xf32>
    %dot_general3A_5 = tpu.matmul %get3A_1, %get3A_4, %dot_general3A {dimension_numbers = #tpu.dot_dimension_numbers<[1], [0], [0], [1], [0, 0, 1, 1], [], []>, transpose_lhs_hint = false} : vector<1x192xf32>, vector<192x12288xf32>, vector<1x12288xf32> -> vector<1x12288xf32>
    %get3A_6 = arith.constant 0 : index
    %get3A_7 = arith.constant 0 : index
    %get3A_8 = memref.load %arg2[%get3A_6, %get3A_7] : memref<1x1xf32, #tpu.memory_space<smem>>
    %add3A = vector.broadcast %get3A_8 : f32 to vector<1x12288xf32>
    %add3A_9 = arith.addf %dot_general3A_5, %add3A : vector<1x12288xf32>
    %logistic3A = arith.negf %add3A_9 : vector<1x12288xf32>
    %logistic3A_10 = math.exp %logistic3A : vector<1x12288xf32>
    %logistic3A_11 = arith.constant 1.000000e+00 : f32
    %logistic3A_12 = vector.broadcast %logistic3A_11 : f32 to vector<1x12288xf32>
    %logistic3A_13 = arith.addf %logistic3A_12, %logistic3A_10 : vector<1x12288xf32>
    %logistic3A_14 = arith.divf %logistic3A_12, %logistic3A_13 : vector<1x12288xf32>
    %jit3A = arith.constant 9.99999974E-5 : f32
    %jit3A_15 = arith.constant 0.999899983 : f32
    %max3A = vector.broadcast %jit3A : f32 to vector<1x12288xf32>
    %max3A_16 = arith.maximumf %max3A, %logistic3A_14 : vector<1x12288xf32>
    %min3A = vector.broadcast %jit3A_15 : f32 to vector<1x12288xf32>
    %min3A_17 = arith.minimumf %min3A, %max3A_16 : vector<1x12288xf32>
    %swap3A = arith.constant 0 : index
    %swap3A_18 = arith.constant 0 : index
    %swap3A_19 = vector.load %arg4[%swap3A, %swap3A_18] : memref<1x12288xf32, #tpu.memory_space<vmem>>, vector<1x12288xf32>
    tpu.vector_store %arg4[%swap3A, %swap3A_18], %min3A_17 {strides = array<i32>} : memref<1x12288xf32, #tpu.memory_space<vmem>>, vector<1x12288xf32>,
    return
  }
  func.func @transform_0(%arg0: i32) -> (i32, i32) {
    %c0_i32 = arith.constant 0 : i32
    %c0_i32_0 = arith.constant 0 : i32
    %c0_i32_1 = arith.constant 0 : i32
    return %c0_i32, %c0_i32_0 : i32, i32
  }
  func.func @transform_1(%arg0: i32) -> (i32, i32) {
    %c0_i32 = arith.constant 0 : i32
    %c0_i32_0 = arith.constant 0 : i32
    %c0_i32_1 = arith.constant 0 : i32
    return %c0_i32, %c0_i32_0 : i32, i32
  }
  func.func @transform_2(%arg0: i32) -> (i32, i32) {
    %c0_i32 = arith.constant 0 : i32
    %c0_i32_0 = arith.constant 0 : i32
    return %c0_i32, %arg0 : i32, i32
  }
  func.func @transform_3(%arg0: i32) -> (i32, i32) {
    %c0_i32 = arith.constant 0 : i32
    %c0_i32_0 = arith.constant 0 : i32
    return %c0_i32, %arg0 : i32, i32
  }
}

</mosaic_0001>

<sc_bundles>
// kernel: sparse-core-data-format-call.cloned.1.call-start
scs
called_computation_lowered:
.L_overlay_start_0:
0x0: {  	s2 =	sld [smem:$0x3FD9]  }
0x1: {  	s3 =	sld [smem:$0x3FFE];
	_ =	sdelay $0x1  }
0x2: {  	s1 =	srdreg.scid  }
0x3: {  	s0 =	sand.u32 $0x1, s1  }
0x4: {  	s18 =	sshll.u32 s0, $0xA;
	s2 =	sadd.s32 s3, s2  }
0x5: {  	s2 =	sadd.s32 s2, s18  }
0x6: {  	[smem:$0x3FC5] =	sst s2  }
0x7: {  	_ = 	snop  }
0x8: {  	s2 =	sld [smem:$0x3FC9];
	(tm) =	ssettm $0x1  }
0x9: {  	s19 =	sld [smem:$0x3FFB];
	_ =	sdelay $0x3  }
0xa: {  	_ =	strace s19  }
0xb: {  	s3 =	sld [smem:$0x3FFC];
	_ =	sdelay $0x3  }
0xc: {  	_ =	strace s3  }
0xd: {  	s3 =	sld [smem:$0x3FFD];
	_ =	sdelay $0x3  }
0xe: {  	_ =	strace s3  }
0xf: {  	_ =	strace $0x8FFFFFFF  }
0x10: {  	s20 =	sld [smem:$0x3FDB];
	_ =	sdelay $0x1  }
0x11: {  	s4 =	simm.s32 $_scs_section_size  }
0x12: {  	s5 =	simm.s32 $_size__tile_overlayer_lowered;
	s6 =	simm.s32 $_tile_overlayer_lowered  }
0x13: {  	s23 =	simm.s32 $0x1BFF;
	s22 =	sshll.u32 s6, $0x1;
	s3 =	sadd.s32 s4, s20  }
0x14: {  	s7 =	simm.s32 $0x0;
	s21 =	sshll.u32 s5, $0x1;
	s5 =	sadd.s32 s22, s3  }
0x15: {  	[timem:s7], [sflag:s23] =	dma.local [hbm:s5], s21  }
0x16: {  	_ =	swait.ge [sflag:s23], s21  }
0x17: {  	s4 =	ssub.s32 $0x0, s21;
	[sflag:s23] =	ssyncset.done $0x0  }
0x18: {  	[sflag:s23] =	ssyncadd.s32 s4;
	_ =	sdelay $0x1  }
0x19: {  	s24 =	simm.s32 $0x1B8B  }
0x1a: {  	_ =	swait.ge [sflag:s24], $0x1  }
0x1b: {  	[sflag:s24] =	ssyncset.done $0x0  }
0x1c: {  	s26 =	simm.s32 $0x1B8E;
	s25 =	sld [smem:$0x3FFE];
	[sflag:s24] =	ssyncadd.s32 $0xFFFFFFFF  }
0x1d: {  	s27 =	simm.s32 $execute0_lowered;
	[smem:$0x3FD2] =	sst s26  }
0x1e: {  	s5 =	sshll.u32 s27, $0x1;
	_ =	strace $0x80000046;
	[dreg:$0x1] =	wrdreg $0xFFFFFFFF  }
0x1f: {  	s28 =	simm.s32 $_size_execute0_lowered;
	s3 =	sadd.s32 s3, s5;
	[dreg:$0x0] =	wrdreg $0x0  }
0x20: {  	s5 =	sshll.u32 s28, $0x1;
	[dreg:$0x2] =	wrdreg s3  }
0x21: {  	[dreg:$0x3] =	wrdreg s5  }
0x22: {  	[dreg:$0x4] =	wrdreg $0xC0  }
0x23: {  	_ =	task [dreg:s7], $0x5FFFF  }
0x24: {  	[dreg:$0x1] =	wrdreg $0xFFFFFFFF  }
0x25: {  	[dreg:$0x0] =	wrdreg $0x60  }
0x26: {  	[dreg:$0x2] =	wrdreg s2  }
0x27: {  	[dreg:$0x3] =	wrdreg s25  }
0x28: {  	[dreg:$0x4] =	wrdreg $0x9  }
0x29: {  	_ =	task.clear_ibuf [dreg:s7], $0x5FFFF;
	_ =	strace $0x90000046  }
0x2a: {  	s29 =	simm.s32 $0x9;
	_ =	strace $0x80000048  }
0x2b: {  	_ =	swait.ge [sflag:s29], $0x1  }
0x2c: {  	[sflag:s29] =	ssyncadd.s32 $0xFFFFFFFF  }
0x2d: {  	_ =	strace $0x90000048  }
0x2e: {  	_ =	sfence  }
0x2f: {  	s30 =	sld [smem:$0x0];
	_ =	sdelay $0x2  }
0x30: {  	s31 =	sshll.u32 s1, $0xD;
	s1 =	sshrl.u32 s1, $0x2  }
0x31: {  	s3 =	sand.u32 $0x4000, s31;
	s1 =	sadd.s32 s1, s30  }
0x32: {  	s0 =	sor.u32 s3, s0;
	s1 =	sshll.u32 s1, $0x11  }
0x33: {  	s0 =	sor.u32 s1, s0  }
0x34: {  	s0 =	sadd.s32 $0x8F2B, s0  }
0x35: {  	[sflag:s0] =	ssyncadd.remote.s32 $0x1  }
0x36: {  	_ =	sfence.sel $0xFFFF  }
0x37: {  	[dreg:$0x0] =	wrdreg $0xFFFFFFFF;
	(pc) =	sbr.abs _section_cstart, $3  }
0x38: {  	[dreg:$0x1] =	wrdreg $0xFFFFFFFF  }
0x39: {  	_ =	task.clear_ibuf [dreg:s7], $0x2FFFF;
	_ =	strace $0x9FFFFFFF  }
0x3a: {  	(tm) =	ssettm $0x7FFFFFFF  }
0x3b: {  	_ =	shalt  }
tec
execute0_lowered:
.L_overlay_start_1:
0x0: {  	(tag) =	ssettag $0x1  }
0x1: {  	s2 =	rddreg [dreg:$0x0]  }
0x2: {  	s1 =	rddreg [dreg:$0x1]  }
0x3: {  	s0 =	rddreg [dreg:$0x2];
	s4 =	srdreg.scid  }
0x4: {  	_ =	strace $0x80000047;
	s7 =	simm.s32 $0x2;
	s15 =	simm.s32 $0x0  }
0x5: {  	p0 =	por $0x0, $0x0;
	s13 =	simm.s32 $0x0;
	s16 =	simm.s32 $0x0  }
0x6: {  	s14 =	simm.s32 $0x0;
	s9 =	simm.s32 $0x0;
	s10 =	simm.s32 $0x0  }
.Ltmp0:
0x7: {  	s3 =	sadd.s32 $0x600, s1;
	s4 =	sshll.u32 s4, $0x4;
	(pc) =	sbr.rel .LBB1_1-.Ltmp0, $4  }
0x8: {  	s1 =	stileid.u32;
	s5 =	sand.u32 $0x10, s4;
	s4 =	simm.s32 $0x1  }
0x9: {  	s8 =	simm.s32 $0x0;
	s6 =	sor.u32 s1, s5;
	[sflag:s4] =	ssyncpa.u1 $0x0  }
0xa: {  	s5 =	sand.u32 $0x3, s1;
	s6 =	sshrl.u32 s6, $0x2;
	[sflag:s7] =	ssyncpa.u1 $0x0  }
0xb: {  	s7 =	simm.s32 $0xC00;
	s12 =	smov.u32 s5;
	s11 =	smov.u32 s6  }
.LBB1_5:
0xc: {  	s17 =	sadd.s32 $0x80, s9  }
0xd: {  	s13 =	sadd.s32 $0x80, s10;
	s18 =	smov.u32 s10;
	p2 =	sgt.s32 s17, $0x17F  }
0xe: {  	s18 =	smov.u32 @p2 s13  }
0xf: {  	s19 =	smov.u32 s11;
	s13 =	sadd.s32 $0x8, s11;
	p3 =	sgt.s32 s18, $0x17F  }
0x10: {  	s19 =	smov.u32 @p3 s13  }
0x11: {  	s20 =	smov.u32 s12;
	s13 =	sadd.s32 $0x4, s12;
	p4 =	sgt.s32 s19, $0x7  }
0x12: {  	p1 =	slt.u32 s8, $0x2;
	s20 =	smov.u32 @p4 s13  }
0x13: {  	s8 =	sadd.s32 $0x1, s8;
	s17 =	simm.s32 @p2 $0x0;
	p2 =	sgt.s32 s20, $0x17  }
0x14: {  	s15 =	smov.u32 s9;
	s20 =	smov.u32 @p2 s5;
	p2 =	sne.s32 s8, $0x38  }
.Ltmp1:
0x15: {  	s16 =	smov.u32 s11;
	s21 =	simm.s32 @!p1 $0x2;
	(pc) =	sbr.rel @!p2 .LBB1_6-.Ltmp1, $4  }
0x16: {  	s14 =	smov.u32 s12;
	p0 =	por !p0, !p0;
	_ =	swait.ge @!p1 [sflag:s21], $0x4000  }
0x17: {  	[sflag:s21] =	ssyncset.done @!p1 $0x0;
	s9 =	smov.u32 s17;
	s18 =	simm.s32 @p3 $0x0  }
0x18: {  	[sflag:s21] =	ssyncadd.s32 @!p1 $0xFFFFC000;
	s19 =	smov.u32 @p4 s6;
	s13 =	smov.u32 s10  }
0x19: {  	s10 =	smov.u32 s18;
	s11 =	smov.u32 s19;
	s12 =	smov.u32 s20  }
.LBB1_1:
0x1a: {  	p1 =	sgt.u32 s8, $0x35  }
0x1b: {  	s17 =	sshrl.u32 @!p1 s10, $0x3  }
0x1c: {  	s18 =	sshll.u32 @!p1 s9, $0x3;
	s17 =	smul.u32 @!p1 $0xC00, s17  }
0x1d: {  	s19 =	sshll.u32 @!p1 s10, $0x7;
	s18 =	sand.u32 @!p1 $0xFFFFFC00, s18  }
0x1e: {  	s17 =	sadd.s32 @!p1 s17, s18;
	s18 =	sand.u32 @!p1 $0x380, s19  }
0x1f: {  	s19 =	sand.u32 @!p1 $0x7F, s9;
	s17 =	sor.u32 @!p1 s18, s17  }
0x20: {  	s18 =	sor.u32 @!p1 s19, s17;
	s17 =	smulhi.u32 @!p1 $0xAAAAAAAB, s17;
	_ =	sdelay $0x1  }
0x21: {  	s19 =	smulhi.u32 @!p1 $0xAAAAAAAB, s18;
	s17 =	sshrl.u32 @!p1 s17, $0x8  }
0x22: {  	s20 =	smulhi.u32 @!p1 $0xAAAAAB, s17  }
0x23: {  	s22 =	smul.u32 @!p1 $0x24000, s12  }
0x24: {  	s19 =	sshrl.u32 @!p1 s19, $0x8;
	s20 =	smul.u32 @!p1 $0x180, s20  }
0x25: {  	s21 =	sxor.u32 @!p1 $0xFFFFFFFF, s8;
	s19 =	smul.u32 @!p1 $0x180, s19  }
0x26: {  	s21 =	sshll.u32 @!p1 s21, $0xE;
	s17 =	ssub.s32 @!p1 s17, s20;
	s20 =	smul.u32 @!p1 $0x4800, s11  }
0x27: {  	s18 =	ssub.s32 @!p1 s18, s19;
	s19 =	sadd.s32 @!p1 s2, s22;
	s17 =	smul.u32 @!p1 $0x30, s17  }
0x28: {  	s21 =	sand.u32 @!p1 $0x4000, s21;
	s19 =	sadd.s32 @!p1 s20, s19;
	s20 =	sand.u32 @!p1 $0x7, s18  }
0x29: {  	s18 =	sshrl.u32 @!p1 s18, $0x3;
	s17 =	sadd.s32 @!p1 s17, s19;
	s19 =	sshll.u32 @!p1 s20, $0x12  }
0x2a: {  	s17 =	sadd.s32 @!p1 s18, s17;
	s18 =	sor.u32 @!p1 $0x400, s19;
	s19 =	simm.s32 @!p1 $0xC00  }
0x2b: {  	[tilespmem:s21], [sflag:$0x1] =	stream.strided.gather @!p1 [hbm4b:s17+s18], $0x4000, s19, s18, $0x38;
	[tilespmem:$0x10000] =	vst v63  }
0x2c: {  	p1 =	seq.s32 s8, $0x0  }
0x2d: {  	p2 =	seq.s32 @!p1 s8, $0x37  }
0x2e: {  	p1 =	por p1, p2  }
.Ltmp2:
0x2f: {  	_ = 	snop;
	(pc) =	sbr.rel @p1 .LBB1_5-.Ltmp2, $1  }
0x30: {  	_ =	sdelay $0x3  }
0x31: {  	s17 =	simm.s32 $0x1  }
0x32: {  	s17 =	simm.s32 @!p0 $0x0  }
0x33: {  	s17 =	sshll.u32 s17, $0xE  }
0x34: {  	s18 =	sor.u32 $0x40, s17  }
0x35: {  	v1 =	vmov s18;
	_ =	sdelay $0x1  }
0x36: {  	_ =	swait.ge [sflag:s4], $0x4000  }
0x37: {  	[sflag:s4] =	ssyncset.done $0x0  }
0x38: {  	s19 =	simm.s32 $0x0;
	[sflag:s4] =	ssyncadd.s32 $0xFFFFC000  }
0x39: {  	s17 =	sor.u32 $0x8070, s17;
	v6 =	vld.idx.msk [tilespmem:v1+s19+$0x30 ss:$0x1], $0xffff  }
0x3a: {  	v0 =	vmov s17;
	v8 =	vld.idx.msk [tilespmem:v1+s19+$0xFFFFFFC0 ss:$0x1], $0xffff  }
0x3b: {  	v7 =	vld.idx.msk [tilespmem:v1+s19+$0xFFFFFFD0 ss:$0x1], $0xffff  }
0x3c: {  	v5 =	vld.idx.msk [tilespmem:v1+s19+$0xFFFFFFE0 ss:$0x1], $0xffff  }
0x3d: {  	v4 =	vld.idx.msk [tilespmem:v1+s19+$0xFFFFFFF0 ss:$0x1], $0xffff  }
0x3e: {  	s31 =	sshll.u32 s8, $0xE;
	v2 =	vld.idx.msk [tilespmem:v1+s19+$0x0 ss:$0x1], $0xffff  }
0x3f: {  	s17 =	sand.u32 $0x4000, s31;
	v3 =	vld.idx.msk [tilespmem:v1+s19+$0x10 ss:$0x1], $0xffff;
	[tilespmem:v0+s19+$0x0 ss:$0x1] =	vst.idx.msk $0xffff, v6  }
0x40: {  	s20 =	simm.s32 $0x400;
	s18 =	simm.s32 $0x80;
	s17 =	sor.u32 $0x8000, s17;
	[tilespmem:v0+s19+$0xFFFFFF90 ss:$0x1] =	vst.idx.msk $0xffff, v8;
	v6 =	vld.idx.msk [tilespmem:v1+s19+$0x20 ss:$0x1], $0xffff  }
.LBB1_3:
0x41: {  	p1 =	sne.s32 s20, $0xFE00;
	v8 =	vld.idx.msk [tilespmem:v1+s18+$0x30 ss:$0x1], $0xffff;
	[tilespmem:v0+s19+$0xFFFFFFA0 ss:$0x1] =	vst.idx.msk $0xffff, v7  }
0x42: {  	v9 =	vld.idx.msk [tilespmem:v1+s18+$0xFFFFFFC0 ss:$0x1], $0xffff;
	[tilespmem:v0+s19+$0xFFFFFFB0 ss:$0x1] =	vst.idx.msk $0xffff, v5  }
0x43: {  	v7 =	vld.idx.msk [tilespmem:v1+s18+$0xFFFFFFD0 ss:$0x1], $0xffff;
	[tilespmem:v0+s19+$0xFFFFFFC0 ss:$0x1] =	vst.idx.msk $0xffff, v4  }
.Ltmp3:
0x44: {  	v5 =	vld.idx.msk [tilespmem:v1+s18+$0xFFFFFFE0 ss:$0x1], $0xffff;
	[tilespmem:v0+s19+$0xFFFFFFD0 ss:$0x1] =	vst.idx.msk $0xffff, v2;
	(pc) =	sbr.rel @p1 .LBB1_3-.Ltmp3, $4  }
0x45: {  	v4 =	vld.idx.msk [tilespmem:v1+s18+$0xFFFFFFF0 ss:$0x1], $0xffff;
	[tilespmem:v0+s19+$0xFFFFFFE0 ss:$0x1] =	vst.idx.msk $0xffff, v3  }
0x46: {  	v2 =	vld.idx.msk [tilespmem:v1+s18+$0x0 ss:$0x1], $0xffff;
	[tilespmem:v0+s19+$0xFFFFFFF0 ss:$0x1] =	vst.idx.msk $0xffff, v6;
	s19 =	smov.u32 s18  }
0x47: {  	v3 =	vld.idx.msk [tilespmem:v1+s19+$0x10 ss:$0x1], $0xffff;
	[tilespmem:v0+s19+$0x0 ss:$0x1] =	vst.idx.msk $0xffff, v8  }
0x48: {  	s18 =	sshra.s32 s20, $0x2;
	s20 =	sadd.s32 $0x200, s20;
	[tilespmem:v0+s19+$0xFFFFFF90 ss:$0x1] =	vst.idx.msk $0xffff, v9;
	v6 =	vld.idx.msk [tilespmem:v1+s19+$0x20 ss:$0x1], $0xffff  }
0x49: {  	_ =	sdelay $0x2  }
0x4a: {  	s20 =	sshrl.u32 s16, $0x3  }
0x4b: {  	s21 =	sshll.u32 s15, $0x3;
	[tilespmem:v0+s19+$0xFFFFFFA0 ss:$0x1] =	vst.idx.msk $0xffff, v7;
	s20 =	smul.u32 $0xC00, s20  }
0x4c: {  	s27 =	sshll.u32 s16, $0x7;
	v56 =	vld.idx.msk [tilespmem:v1+s18+$0x30 ss:$0x1], $0xffff;
	[tilespmem:v0+s19+$0xFFFFFFB0 ss:$0x1] =	vst.idx.msk $0xffff, v5;
	s21 =	sand.u32 $0xFFFFFC00, s21  }
0x4d: {  	v57 =	vld.idx.msk [tilespmem:v1+s18+$0xFFFFFFC0 ss:$0x1], $0xffff;
	s16 =	sand.u32 $0x380, s27;
	[tilespmem:v0+s19+$0xFFFFFFC0 ss:$0x1] =	vst.idx.msk $0xffff, v4;
	s20 =	sadd.s32 s20, s21  }
0x4e: {  	s28 =	sand.u32 $0x7F, s15;
	v58 =	vld.idx.msk [tilespmem:v1+s18+$0xFFFFFFD0 ss:$0x1], $0xffff;
	[tilespmem:v0+s19+$0xFFFFFFD0 ss:$0x1] =	vst.idx.msk $0xffff, v2;
	s16 =	sor.u32 s16, s20  }
0x4f: {  	v59 =	vld.idx.msk [tilespmem:v1+s18+$0xFFFFFFE0 ss:$0x1], $0xffff;
	[tilespmem:v0+s19+$0xFFFFFFE0 ss:$0x1] =	vst.idx.msk $0xffff, v3;
	s15 =	sor.u32 s28, s16;
	s16 =	smulhi.u32 $0xAAAAAAAB, s16  }
0x50: {  	v60 =	vld.idx.msk [tilespmem:v1+s18+$0xFFFFFFF0 ss:$0x1], $0xffff;
	[tilespmem:v0+s19+$0xFFFFFFF0 ss:$0x1] =	vst.idx.msk $0xffff, v6;
	s29 =	smulhi.u32 $0xAAAAAAAB, s15  }
0x51: {  	v61 =	vld.idx.msk [tilespmem:v1+s18+$0x0 ss:$0x1], $0xffff;
	s14 =	smul.u32 $0x24000, s14;
	[tilespmem:v0+s18+$0x0 ss:$0x1] =	vst.idx.msk $0xffff, v56  }
0x52: {  	v62 =	vld.idx.msk [tilespmem:v1+s18+$0x10 ss:$0x1], $0xffff;
	s13 =	smul.u32 $0x180, s13;
	[tilespmem:v0+s18+$0xFFFFFF90 ss:$0x1] =	vst.idx.msk $0xffff, v57;
	s16 =	sshrl.u32 s16, $0x8;
	s30 =	sshrl.u32 s29, $0x8  }
0x53: {  	v63 =	vld.idx.msk [tilespmem:v1+s18+$0x20 ss:$0x1], $0xffff;
	[tilespmem:v0+s18+$0xFFFFFFA0 ss:$0x1] =	vst.idx.msk $0xffff, v58;
	s16 =	sand.u32 $0x7, s16;
	s19 =	smul.u32 $0x180, s30  }
0x54: {  	[tilespmem:v0+s18+$0xFFFFFFB0 ss:$0x1] =	vst.idx.msk $0xffff, v59;
	s16 =	smul.u32 $0x30, s16  }
.Ltmp4:
0x55: {  	s14 =	sadd.s32 s3, s14;
	[tilespmem:v0+s18+$0xFFFFFFC0 ss:$0x1] =	vst.idx.msk $0xffff, v60;
	s15 =	ssub.s32 s15, s19;
	(pc) =	sbr.rel .LBB1_5-.Ltmp4, $4  }
0x56: {  	s13 =	sadd.s32 s13, s14;
	[tilespmem:v0+s18+$0xFFFFFFD0 ss:$0x1] =	vst.idx.msk $0xffff, v61;
	s31 =	sand.u32 $0x7, s15  }
0x57: {  	[tilespmem:v0+s18+$0xFFFFFFE0 ss:$0x1] =	vst.idx.msk $0xffff, v62;
	s13 =	sadd.s32 s16, s13;
	s15 =	sshrl.u32 s15, $0x3;
	s14 =	sshll.u32 s31, $0x12  }
0x58: {  	[tilespmem:v0+s18+$0xFFFFFFF0 ss:$0x1] =	vst.idx.msk $0xffff, v63;
	s13 =	sadd.s32 s15, s13;
	s14 =	sor.u32 $0x80, s14  }
0x59: {  	[hbm4b:s13+s14] =	stream.strided.scatter [tilespmem:s17], [sflag:$0x2], $0x4000, s7, s14, $0x38;
	[tilespmem:$0x10000] =	vst v63  }
.LBB1_6:
0x5a: {  	_ =	sfence.sel $0x180000  }
0x5b: {  	s2 =	simm.s32 $0x1;
	[bflag:$0x0] =	sbarrier.arrive $0xFFFF  }
0x5c: {  	s31 =	simm.s32 $0x2;
	[sflag:s2] =	ssyncpa.u1 $0x1  }
0x5d: {  	[sflag:s31] =	ssyncpa.u1 $0x1  }
0x5e: {  	p0 =	sne.s32 s1, $0x0;
	_ =	strace $0x90000047  }
0x5f: {  	s0 =	sadd.s32 @!p0 $0x100000, s0;
	[bflag:$0x2] =	sbarrier.arrive $0xFFFF  }
0x60: {  	[sflag:s0] =	ssyncadd.tile.s32 @!p0 $0x1;
	_ =	shalt  }
.Lfunc_end1:
_tile_overlayer_lowered:
.L_overlay_start_2:
0x61: {  	(tag) =	ssettag $0x2  }
0x62: {  	s0 =	rddreg [dreg:$0x0];
	s2 =	stileid.u32  }
0x63: {  	s1 =	rddreg [dreg:$0x1];
	p0 =	sne.s32 s2, $0x0  }
0x64: {  	s3 =	rddreg [dreg:$0x2];
	[bflag:$0x3] =	sbarrier.arrive $0xFFFF;
	s2 =	simm.s32 @!p0 $0x1C01  }
0x65: {  	[timem:s3], [sflag:s2] =	dma.local @!p0 [hbm:s0], s1  }
0x66: {  	s0 =	simm.s32 @!p0 $0x1  }
0x67: {  	_ =	swait.ge @!p0 [sflag:s0], s1  }
0x68: {  	s1 =	ssub.s32 @!p0 $0x0, s1;
	[sflag:s0] =	ssyncset.done @!p0 $0x0  }
0x69: {  	[sflag:s0] =	ssyncadd.s32 @!p0 s1  }
0x6a: {  	[bflag:$0x3] =	sbarrier.arrive $0xFFFF  }
0x6b: {  	_ =	shalt  }

</sc_bundles>
